<compile_context>
chip_gen: v7x
topology: tpu7x:2x2x1
jax: 0.10.2.dev20260603
libtpu: 0.0.44.dev20260713+nightly
codegen_flags: <defaults>
</compile_context>

<pallas_src>
import jax
import jax.numpy as jnp
from jax import lax
from jax.experimental import pallas as pl
from jax.experimental.pallas import tpu as pltpu
from jax.experimental.pallas import tpu_sc as plsc

N_TOKENS = 1000000
D = 32
BATCH = 16384
HIST = 50

NC, NS = 2, 16
NW = NC * NS
B_PER_W = BATCH // NW
RB = 32
CHUNK = RB * HIST
NCHUNK = B_PER_W // RB
NBUF = 2
NVEC = CHUNK // 16


def _gather_body(x_hbm, w_hbm, out_hbm, x2d_v, idx_v, rows_v, sem_g, sem_s):
    wid = lax.axis_index("s") * NC + lax.axis_index("c")
    base = wid * B_PER_W
    lane = lax.iota(jnp.int32, 16)
    zero = lane * 0

    def idx_gather_start(c, b):
        row = wid * NCHUNK + c
        pltpu.sync_copy(x_hbm.at[pl.ds(row, 1)], x2d_v.at[b])

        @pl.loop(0, NVEC)
        def _compact(k):
            flat = k * 16 + lane
            v = plsc.load_gather(x2d_v.at[b], [zero, flat])
            idx_v.at[b][pl.ds(k * 16, 16)] = v

        pltpu.async_copy(w_hbm.at[idx_v.at[b]], rows_v.at[b], sem_g)

    def gather_wait(b):
        pltpu.make_async_copy(w_hbm.at[idx_v.at[b]], rows_v.at[b], sem_g).wait()

    def store_start(c, b):
        off = base + c * RB

        @pl.loop(0, RB)
        def _rows(r):
            pltpu.async_copy(rows_v.at[b].at[pl.ds(r * HIST, HIST)],
                             out_hbm.at[off + r], sem_s)

    def store_wait(c, b):
        off = base + c * RB

        @pl.loop(0, RB)
        def _rows(r):
            pltpu.make_async_copy(rows_v.at[b].at[pl.ds(r * HIST, HIST)],
                                  out_hbm.at[off + r], sem_s).wait()

    for b in range(NBUF):
        idx_gather_start(b, b)

    @pl.loop(0, NCHUNK - NBUF, step=NBUF)
    def _steady(c0):
        for b in range(NBUF):
            c = c0 + b
            gather_wait(b)
            store_start(c, b)
            store_wait(c, b)
            idx_gather_start(c + NBUF, b)

    for b in range(NBUF):
        gather_wait(b)
        store_start(NCHUNK - NBUF + b, b)
    for b in range(NBUF):
        store_wait(NCHUNK - NBUF + b, b)


def kernel(x, weights):
    x32 = x.astype(jnp.int32)
    mesh = plsc.VectorSubcoreMesh(core_axis_name="c", subcore_axis_name="s",
                                  num_cores=NC, num_subcores=NS)
    out = pl.kernel(
        _gather_body,
        out_type=jax.ShapeDtypeStruct((BATCH, HIST, D), jnp.float32),
        mesh=mesh,
        scratch_types=[
            pltpu.VMEM((NBUF, 1, CHUNK), jnp.int32),
            pltpu.VMEM((NBUF, CHUNK), jnp.int32),
            pltpu.VMEM((NBUF, CHUNK, D), jnp.float32),
            pltpu.SemaphoreType.DMA,
            pltpu.SemaphoreType.DMA,
        ],
        compiler_params=pltpu.CompilerParams(use_tc_tiling_on_sc=False,
                                             needs_layout_passes=False),
    )(x32.reshape(BATCH // RB, CHUNK), weights)
    return out

# --- scband reference (transcript-rebuilt; emitter-appended) ---
"""Pipeline reference for scband-embedding-20959440405114 (READ-ONLY COPY).

The authoritative reference and input builder live on the scoring server;
editing this copy changes nothing except your own understanding.
"""

import jax, jax.numpy as jnp
import numpy as np

N_TOKENS = 1000000
LATENT_DIM = 32
BATCH = 16384
HIST = 50


def setup_inputs(seed: int = 0) -> dict:
    key = jax.random.key(seed)
    k_idx, k_w = jax.random.split(key)
    x = jax.random.randint(k_idx, (BATCH, HIST), 0, N_TOKENS, dtype=jnp.int32).astype(jnp.int64)
    # truncnorm init: truncated standard normal on [-t, t], t = 1/sqrt(n_tokens)
    t = 1.0 / np.sqrt(N_TOKENS)
    weights = jax.random.truncated_normal(k_w, -t, t, (N_TOKENS, LATENT_DIM), dtype=jnp.float32)
    return {"x": x, "weights": weights}


def reference(x, weights):
    # F.embedding(x, weights) with padding_idx=None -> plain row gather
    return jnp.take(weights, x, axis=0)

if __name__ == "__main__":
    import jax
    _d = setup_inputs()
    print(jax.jit(kernel)(*tuple(_d.values())))

</pallas_src>

<mosaic_0001>
#map = affine_map<(d0, d1) -> (0, 0)>
#map1 = affine_map<(d0, d1) -> (0, 0, 0)>
module attributes {stable_mosaic.version = 14 : i64} {
  func.func @_gather_body(%arg0: i32, %arg1: i32, %arg2: memref<512x1600xi32, #tpu.memory_space<hbm>>, %arg3: memref<1000000x32xf32, #tpu.memory_space<hbm>>, %arg4: memref<16384x50x32xf32, #tpu.memory_space<hbm>>, %arg5: memref<2x1x1600xi32, #tpu.memory_space<vmem>>, %arg6: memref<2x1600xi32, #tpu.memory_space<vmem>>, %arg7: memref<2x1600x32xf32, #tpu.memory_space<vmem>>, %arg8: memref<!tpu.dma_semaphore, #tpu.memory_space<semaphore_mem>>, %arg9: memref<!tpu.dma_semaphore, #tpu.memory_space<semaphore_mem>>) attributes {dimension_semantics = [#tpu.dimension_semantics<core_parallel>, #tpu.dimension_semantics<subcore_parallel>], iteration_bounds = array<i64: 2, 16>, scalar_prefetch = 0 : i64, scratch_operands = 5 : i64, tpu.core_type = #tpu.core_type<sc_vector_subcore>, window_params = [{transform_indices = #map}, {transform_indices = #map}, {transform_indices = #map1}]} {
    %mul3A = arith.constant 2 : i32
    %mul3A_0 = arith.muli %arg1, %mul3A : i32
    %add3A = arith.addi %mul3A_0, %arg0 : i32
    %mul3A_1 = arith.constant 512 : i32
    %mul3A_2 = arith.muli %add3A, %mul3A_1 : i32
    %iota3A = tpu.iota {dimensions = array<i32: 0>} : vector<16xi32>
    %mul3A_3 = arith.constant 0 : i32
    %mul3A_4 = vector.broadcast %mul3A_3 : i32 to vector<16xi32>
    %mul3A_5 = arith.muli %iota3A, %mul3A_4 : vector<16xi32>
    %mul3A_6 = arith.constant 16 : i32
    %mul3A_7 = arith.muli %add3A, %mul3A_6 : i32
    %add3A_8 = arith.constant 0 : i32
    %add3A_9 = arith.addi %mul3A_7, %add3A_8 : i32
    %run_scoped3A = arith.constant 0 : i32
    "tpu.region"() ({
      %run_scoped3A_103 = tpu.sem_alloc : memref<!tpu.dma_semaphore, #tpu.memory_space<semaphore_mem>>
      %dma_start3A_104 = arith.constant 0 : i32
      %dma_start3A_105 = arith.constant 0 : i32
      %dma_start3A_106 = tpu.memref_slice %arg5[%run_scoped3A, %dma_start3A_104, %dma_start3A_105] : memref<2x1x1600xi32, #tpu.memory_space<vmem>> -> memref<1x1x1600xi32, #tpu.memory_space<vmem>>
      %dma_start3A_107 = tpu.memref_squeeze %dma_start3A_106 : memref<1x1x1600xi32, #tpu.memory_space<vmem>> -> memref<1x1600xi32, #tpu.memory_space<vmem>>
      %dma_start3A_108 = arith.constant 0 : i32
      %dma_start3A_109 = tpu.memref_slice %arg2[%add3A_9, %dma_start3A_108] : memref<512x1600xi32, #tpu.memory_space<hbm>> -> memref<1x1600xi32, #tpu.memory_space<hbm>>
      %dma_start3A_110 = arith.constant 0 : i32
      %dma_start3A_111 = arith.constant 0 : i32
      %dma_start3A_112 = tpu.memref_slice %arg5[%run_scoped3A, %dma_start3A_110, %dma_start3A_111] : memref<2x1x1600xi32, #tpu.memory_space<vmem>> -> memref<1x1x1600xi32, #tpu.memory_space<vmem>>
      %dma_start3A_113 = tpu.memref_squeeze %dma_start3A_112 : memref<1x1x1600xi32, #tpu.memory_space<vmem>> -> memref<1x1600xi32, #tpu.memory_space<vmem>>
      %dma_start3A_114 = arith.constant 0 : i32
      %dma_start3A_115 = tpu.memref_slice %arg2[%add3A_9, %dma_start3A_114] : memref<512x1600xi32, #tpu.memory_space<hbm>> -> memref<1x1600xi32, #tpu.memory_space<hbm>>
      tpu.enqueue_dma source(%dma_start3A_115 : memref<1x1600xi32, #tpu.memory_space<hbm>>) target(%dma_start3A_113 : memref<1x1600xi32, #tpu.memory_space<vmem>>) target_semaphore(%run_scoped3A_103 : memref<!tpu.dma_semaphore, #tpu.memory_space<semaphore_mem>>)
      %dma_wait3A_116 = arith.constant 0 : i32
      %dma_wait3A_117 = arith.constant 0 : i32
      %dma_wait3A_118 = tpu.memref_slice %arg5[%run_scoped3A, %dma_wait3A_116, %dma_wait3A_117] : memref<2x1x1600xi32, #tpu.memory_space<vmem>> -> memref<1x1x1600xi32, #tpu.memory_space<vmem>>
      %dma_wait3A_119 = tpu.memref_squeeze %dma_wait3A_118 : memref<1x1x1600xi32, #tpu.memory_space<vmem>> -> memref<1x1600xi32, #tpu.memory_space<vmem>>
      %dma_wait3A_120 = arith.constant 0 : i32
      %dma_wait3A_121 = tpu.memref_slice %arg2[%add3A_9, %dma_wait3A_120] : memref<512x1600xi32, #tpu.memory_space<hbm>> -> memref<1x1600xi32, #tpu.memory_space<hbm>>
      %dma_wait3A_122 = arith.constant 0 : i32
      %dma_wait3A_123 = arith.constant 0 : i32
      %dma_wait3A_124 = tpu.memref_slice %arg5[%run_scoped3A, %dma_wait3A_122, %dma_wait3A_123] : memref<2x1x1600xi32, #tpu.memory_space<vmem>> -> memref<1x1x1600xi32, #tpu.memory_space<vmem>>
      %dma_wait3A_125 = tpu.memref_squeeze %dma_wait3A_124 : memref<1x1x1600xi32, #tpu.memory_space<vmem>> -> memref<1x1600xi32, #tpu.memory_space<vmem>>
      %dma_wait3A_126 = arith.constant 0 : i32
      %dma_wait3A_127 = tpu.memref_slice %arg2[%add3A_9, %dma_wait3A_126] : memref<512x1600xi32, #tpu.memory_space<hbm>> -> memref<1x1600xi32, #tpu.memory_space<hbm>>
      tpu.wait_dma2 semaphore(%run_scoped3A_103 : memref<!tpu.dma_semaphore, #tpu.memory_space<semaphore_mem>>) src(%dma_wait3A_127 : memref<1x1600xi32, #tpu.memory_space<hbm>>) dst(%dma_wait3A_125 : memref<1x1600xi32, #tpu.memory_space<vmem>>)
      tpu.yield
    }) : () -> ()
    %scan3A = arith.constant 0 : i32
    %scan3A_10 = arith.constant 100 : i32
    %scan3A_11 = arith.addi %scan3A, %scan3A_10 : i32
    %scan3A_12 = arith.constant 1 : i32
    scf.for %scan3A_103 = %scan3A to %scan3A_11 step %scan3A_12  : i32 {
      %mul3A_104 = arith.constant 1 : i32
      %mul3A_105 = arith.muli %scan3A_103, %mul3A_104 : i32
      %add3A_106 = arith.constant 0 : i32
      %add3A_107 = arith.addi %add3A_106, %mul3A_105 : i32
      %mul3A_108 = arith.constant 16 : i32
      %mul3A_109 = arith.muli %add3A_107, %mul3A_108 : i32
      %add3A_110 = vector.broadcast %mul3A_109 : i32 to vector<16xi32>
      %add3A_111 = arith.addi %add3A_110, %iota3A : vector<16xi32>
      %gather3A = arith.constant 0 : i32
      %gather3A_112 = arith.constant 0 : i32
      %gather3A_113 = arith.constant 0 : i32
      %gather3A_114 = tpu.memref_slice %arg5[%gather3A, %gather3A_112, %gather3A_113] : memref<2x1x1600xi32, #tpu.memory_space<vmem>> -> memref<1x1x1600xi32, #tpu.memory_space<vmem>>
      %gather3A_115 = tpu.memref_squeeze %gather3A_114 : memref<1x1x1600xi32, #tpu.memory_space<vmem>> -> memref<1x1600xi32, #tpu.memory_space<vmem>>
      %gather3A_116 = tpu.vector_load_idx %gather3A_115[%mul3A_5, %add3A_111] : memref<1x1600xi32, #tpu.memory_space<vmem>>[vector<16xi32>, vector<16xi32>], vector<16xi32>,
      %mul3A_117 = arith.constant 16 : i32
      %mul3A_118 = arith.muli %add3A_107, %mul3A_117 : i32
      %swap3A = arith.constant 0 : i32
      %swap3A_119 = arith.constant 0 : i32
      %swap3A_120 = tpu.memref_slice %arg6[%swap3A, %swap3A_119] : memref<2x1600xi32, #tpu.memory_space<vmem>> -> memref<1x1600xi32, #tpu.memory_space<vmem>>
      %swap3A_121 = tpu.memref_squeeze %swap3A_120 : memref<1x1600xi32, #tpu.memory_space<vmem>> -> memref<1600xi32, #tpu.memory_space<vmem>>
      %swap3A_122 = arith.index_cast %mul3A_118 : i32 to index
      %swap3A_123 = tpu.vector_load %swap3A_121[%swap3A_122] {strides = array<i32>} : memref<1600xi32, #tpu.memory_space<vmem>>, vector<16xi32>,
      tpu.vector_store %swap3A_121[%swap3A_122], %gather3A_116 {strides = array<i32>} : memref<1600xi32, #tpu.memory_space<vmem>>, vector<16xi32>,
    }
    %scan3A_13 = arith.constant 100 : i32
    %dma_start3A = arith.constant 0 : i32
    %dma_start3A_14 = arith.constant 0 : i32
    %dma_start3A_15 = arith.constant 0 : i32
    %dma_start3A_16 = arith.constant 0 : i32
    %dma_start3A_17 = tpu.memref_slice %arg7[%dma_start3A_14, %dma_start3A_15, %dma_start3A_16] : memref<2x1600x32xf32, #tpu.memory_space<vmem>> -> memref<1x1600x32xf32, #tpu.memory_space<vmem>>
    %dma_start3A_18 = tpu.memref_squeeze %dma_start3A_17 : memref<1x1600x32xf32, #tpu.memory_space<vmem>> -> memref<1600x32xf32, #tpu.memory_space<vmem>>
    %dma_start3A_19 = arith.constant 0 : i32
    %dma_start3A_20 = tpu.memref_slice %arg6[%dma_start3A, %dma_start3A_19] : memref<2x1600xi32, #tpu.memory_space<vmem>> -> memref<1x1600xi32, #tpu.memory_space<vmem>>
    %dma_start3A_21 = tpu.memref_squeeze %dma_start3A_20 : memref<1x1600xi32, #tpu.memory_space<vmem>> -> memref<1600xi32, #tpu.memory_space<vmem>>
    %dma_start3A_22 = arith.constant 0 : i32
    %dma_start3A_23 = arith.constant 0 : i32
    %dma_start3A_24 = tpu.memref_slice %arg3[%dma_start3A_22, %dma_start3A_23] : memref<1000000x32xf32, #tpu.memory_space<hbm>> -> memref<1000000x32xf32, #tpu.memory_space<hbm>>
    tpu.enqueue_indirect_dma source(%dma_start3A_24 : memref<1000000x32xf32, #tpu.memory_space<hbm>>) target(%dma_start3A_18 : memref<1600x32xf32, #tpu.memory_space<vmem>>) offsets(%dma_start3A_21 : memref<1600xi32, #tpu.memory_space<vmem>>) semaphore(%arg8 : memref<!tpu.dma_semaphore, #tpu.memory_space<semaphore_mem>>)
    %mul3A_25 = arith.constant 16 : i32
    %mul3A_26 = arith.muli %add3A, %mul3A_25 : i32
    %add3A_27 = arith.constant 1 : i32
    %add3A_28 = arith.addi %mul3A_26, %add3A_27 : i32
    %run_scoped3A_29 = arith.constant 1 : i32
    "tpu.region"() ({
      %run_scoped3A_103 = tpu.sem_alloc : memref<!tpu.dma_semaphore, #tpu.memory_space<semaphore_mem>>
      %dma_start3A_104 = arith.constant 0 : i32
      %dma_start3A_105 = arith.constant 0 : i32
      %dma_start3A_106 = tpu.memref_slice %arg5[%run_scoped3A_29, %dma_start3A_104, %dma_start3A_105] : memref<2x1x1600xi32, #tpu.memory_space<vmem>> -> memref<1x1x1600xi32, #tpu.memory_space<vmem>>
      %dma_start3A_107 = tpu.memref_squeeze %dma_start3A_106 : memref<1x1x1600xi32, #tpu.memory_space<vmem>> -> memref<1x1600xi32, #tpu.memory_space<vmem>>
      %dma_start3A_108 = arith.constant 0 : i32
      %dma_start3A_109 = tpu.memref_slice %arg2[%add3A_28, %dma_start3A_108] : memref<512x1600xi32, #tpu.memory_space<hbm>> -> memref<1x1600xi32, #tpu.memory_space<hbm>>
      %dma_start3A_110 = arith.constant 0 : i32
      %dma_start3A_111 = arith.constant 0 : i32
      %dma_start3A_112 = tpu.memref_slice %arg5[%run_scoped3A_29, %dma_start3A_110, %dma_start3A_111] : memref<2x1x1600xi32, #tpu.memory_space<vmem>> -> memref<1x1x1600xi32, #tpu.memory_space<vmem>>
      %dma_start3A_113 = tpu.memref_squeeze %dma_start3A_112 : memref<1x1x1600xi32, #tpu.memory_space<vmem>> -> memref<1x1600xi32, #tpu.memory_space<vmem>>
      %dma_start3A_114 = arith.constant 0 : i32
      %dma_start3A_115 = tpu.memref_slice %arg2[%add3A_28, %dma_start3A_114] : memref<512x1600xi32, #tpu.memory_space<hbm>> -> memref<1x1600xi32, #tpu.memory_space<hbm>>
      tpu.enqueue_dma source(%dma_start3A_115 : memref<1x1600xi32, #tpu.memory_space<hbm>>) target(%dma_start3A_113 : memref<1x1600xi32, #tpu.memory_space<vmem>>) target_semaphore(%run_scoped3A_103 : memref<!tpu.dma_semaphore, #tpu.memory_space<semaphore_mem>>)
      %dma_wait3A_116 = arith.constant 0 : i32
      %dma_wait3A_117 = arith.constant 0 : i32
      %dma_wait3A_118 = tpu.memref_slice %arg5[%run_scoped3A_29, %dma_wait3A_116, %dma_wait3A_117] : memref<2x1x1600xi32, #tpu.memory_space<vmem>> -> memref<1x1x1600xi32, #tpu.memory_space<vmem>>
      %dma_wait3A_119 = tpu.memref_squeeze %dma_wait3A_118 : memref<1x1x1600xi32, #tpu.memory_space<vmem>> -> memref<1x1600xi32, #tpu.memory_space<vmem>>
      %dma_wait3A_120 = arith.constant 0 : i32
      %dma_wait3A_121 = tpu.memref_slice %arg2[%add3A_28, %dma_wait3A_120] : memref<512x1600xi32, #tpu.memory_space<hbm>> -> memref<1x1600xi32, #tpu.memory_space<hbm>>
      %dma_wait3A_122 = arith.constant 0 : i32
      %dma_wait3A_123 = arith.constant 0 : i32
      %dma_wait3A_124 = tpu.memref_slice %arg5[%run_scoped3A_29, %dma_wait3A_122, %dma_wait3A_123] : memref<2x1x1600xi32, #tpu.memory_space<vmem>> -> memref<1x1x1600xi32, #tpu.memory_space<vmem>>
      %dma_wait3A_125 = tpu.memref_squeeze %dma_wait3A_124 : memref<1x1x1600xi32, #tpu.memory_space<vmem>> -> memref<1x1600xi32, #tpu.memory_space<vmem>>
      %dma_wait3A_126 = arith.constant 0 : i32
      %dma_wait3A_127 = tpu.memref_slice %arg2[%add3A_28, %dma_wait3A_126] : memref<512x1600xi32, #tpu.memory_space<hbm>> -> memref<1x1600xi32, #tpu.memory_space<hbm>>
      tpu.wait_dma2 semaphore(%run_scoped3A_103 : memref<!tpu.dma_semaphore, #tpu.memory_space<semaphore_mem>>) src(%dma_wait3A_127 : memref<1x1600xi32, #tpu.memory_space<hbm>>) dst(%dma_wait3A_125 : memref<1x1600xi32, #tpu.memory_space<vmem>>)
      tpu.yield
    }) : () -> ()
    %scan3A_30 = arith.constant 0 : i32
    %scan3A_31 = arith.constant 100 : i32
    %scan3A_32 = arith.addi %scan3A_30, %scan3A_31 : i32
    %scan3A_33 = arith.constant 1 : i32
    scf.for %scan3A_103 = %scan3A_30 to %scan3A_32 step %scan3A_33  : i32 {
      %mul3A_104 = arith.constant 1 : i32
      %mul3A_105 = arith.muli %scan3A_103, %mul3A_104 : i32
      %add3A_106 = arith.constant 0 : i32
      %add3A_107 = arith.addi %add3A_106, %mul3A_105 : i32
      %mul3A_108 = arith.constant 16 : i32
      %mul3A_109 = arith.muli %add3A_107, %mul3A_108 : i32
      %add3A_110 = vector.broadcast %mul3A_109 : i32 to vector<16xi32>
      %add3A_111 = arith.addi %add3A_110, %iota3A : vector<16xi32>
      %gather3A = arith.constant 1 : i32
      %gather3A_112 = arith.constant 0 : i32
      %gather3A_113 = arith.constant 0 : i32
      %gather3A_114 = tpu.memref_slice %arg5[%gather3A, %gather3A_112, %gather3A_113] : memref<2x1x1600xi32, #tpu.memory_space<vmem>> -> memref<1x1x1600xi32, #tpu.memory_space<vmem>>
      %gather3A_115 = tpu.memref_squeeze %gather3A_114 : memref<1x1x1600xi32, #tpu.memory_space<vmem>> -> memref<1x1600xi32, #tpu.memory_space<vmem>>
      %gather3A_116 = tpu.vector_load_idx %gather3A_115[%mul3A_5, %add3A_111] : memref<1x1600xi32, #tpu.memory_space<vmem>>[vector<16xi32>, vector<16xi32>], vector<16xi32>,
      %mul3A_117 = arith.constant 16 : i32
      %mul3A_118 = arith.muli %add3A_107, %mul3A_117 : i32
      %swap3A = arith.constant 1 : i32
      %swap3A_119 = arith.constant 0 : i32
      %swap3A_120 = tpu.memref_slice %arg6[%swap3A, %swap3A_119] : memref<2x1600xi32, #tpu.memory_space<vmem>> -> memref<1x1600xi32, #tpu.memory_space<vmem>>
      %swap3A_121 = tpu.memref_squeeze %swap3A_120 : memref<1x1600xi32, #tpu.memory_space<vmem>> -> memref<1600xi32, #tpu.memory_space<vmem>>
      %swap3A_122 = arith.index_cast %mul3A_118 : i32 to index
      %swap3A_123 = tpu.vector_load %swap3A_121[%swap3A_122] {strides = array<i32>} : memref<1600xi32, #tpu.memory_space<vmem>>, vector<16xi32>,
      tpu.vector_store %swap3A_121[%swap3A_122], %gather3A_116 {strides = array<i32>} : memref<1600xi32, #tpu.memory_space<vmem>>, vector<16xi32>,
    }
    %scan3A_34 = arith.constant 100 : i32
    %dma_start3A_35 = arith.constant 1 : i32
    %dma_start3A_36 = arith.constant 1 : i32
    %dma_start3A_37 = arith.constant 0 : i32
    %dma_start3A_38 = arith.constant 0 : i32
    %dma_start3A_39 = tpu.memref_slice %arg7[%dma_start3A_36, %dma_start3A_37, %dma_start3A_38] : memref<2x1600x32xf32, #tpu.memory_space<vmem>> -> memref<1x1600x32xf32, #tpu.memory_space<vmem>>
    %dma_start3A_40 = tpu.memref_squeeze %dma_start3A_39 : memref<1x1600x32xf32, #tpu.memory_space<vmem>> -> memref<1600x32xf32, #tpu.memory_space<vmem>>
    %dma_start3A_41 = arith.constant 0 : i32
    %dma_start3A_42 = tpu.memref_slice %arg6[%dma_start3A_35, %dma_start3A_41] : memref<2x1600xi32, #tpu.memory_space<vmem>> -> memref<1x1600xi32, #tpu.memory_space<vmem>>
    %dma_start3A_43 = tpu.memref_squeeze %dma_start3A_42 : memref<1x1600xi32, #tpu.memory_space<vmem>> -> memref<1600xi32, #tpu.memory_space<vmem>>
    %dma_start3A_44 = arith.constant 0 : i32
    %dma_start3A_45 = arith.constant 0 : i32
    %dma_start3A_46 = tpu.memref_slice %arg3[%dma_start3A_44, %dma_start3A_45] : memref<1000000x32xf32, #tpu.memory_space<hbm>> -> memref<1000000x32xf32, #tpu.memory_space<hbm>>
    tpu.enqueue_indirect_dma source(%dma_start3A_46 : memref<1000000x32xf32, #tpu.memory_space<hbm>>) target(%dma_start3A_40 : memref<1600x32xf32, #tpu.memory_space<vmem>>) offsets(%dma_start3A_43 : memref<1600xi32, #tpu.memory_space<vmem>>) semaphore(%arg8 : memref<!tpu.dma_semaphore, #tpu.memory_space<semaphore_mem>>)
    %scan3A_47 = arith.constant 0 : i32
    %scan3A_48 = arith.constant 7 : i32
    %scan3A_49 = arith.addi %scan3A_47, %scan3A_48 : i32
    %scan3A_50 = arith.constant 1 : i32
    scf.for %scan3A_103 = %scan3A_47 to %scan3A_49 step %scan3A_50  : i32 {
      %mul3A_104 = arith.constant 2 : i32
      %mul3A_105 = arith.muli %scan3A_103, %mul3A_104 : i32
      %add3A_106 = arith.constant 0 : i32
      %add3A_107 = arith.addi %add3A_106, %mul3A_105 : i32
      %add3A_108 = arith.constant 0 : i32
      %add3A_109 = arith.addi %add3A_107, %add3A_108 : i32
      %dma_wait3A_110 = arith.constant 0 : i32
      %dma_wait3A_111 = arith.constant 0 : i32
      %dma_wait3A_112 = arith.constant 0 : i32
      %dma_wait3A_113 = arith.constant 0 : i32
      %dma_wait3A_114 = tpu.memref_slice %arg7[%dma_wait3A_111, %dma_wait3A_112, %dma_wait3A_113] : memref<2x1600x32xf32, #tpu.memory_space<vmem>> -> memref<1x1600x32xf32, #tpu.memory_space<vmem>>
      %dma_wait3A_115 = tpu.memref_squeeze %dma_wait3A_114 : memref<1x1600x32xf32, #tpu.memory_space<vmem>> -> memref<1600x32xf32, #tpu.memory_space<vmem>>
      %dma_wait3A_116 = arith.constant 0 : i32
      %dma_wait3A_117 = tpu.memref_slice %arg6[%dma_wait3A_110, %dma_wait3A_116] : memref<2x1600xi32, #tpu.memory_space<vmem>> -> memref<1x1600xi32, #tpu.memory_space<vmem>>
      %dma_wait3A_118 = tpu.memref_squeeze %dma_wait3A_117 : memref<1x1600xi32, #tpu.memory_space<vmem>> -> memref<1600xi32, #tpu.memory_space<vmem>>
      %dma_wait3A_119 = arith.constant 0 : i32
      %dma_wait3A_120 = arith.constant 0 : i32
      %dma_wait3A_121 = tpu.memref_slice %arg3[%dma_wait3A_119, %dma_wait3A_120] : memref<1000000x32xf32, #tpu.memory_space<hbm>> -> memref<1000000x32xf32, #tpu.memory_space<hbm>>
      tpu.wait_indirect_dma semaphore(%arg8 : memref<!tpu.dma_semaphore, #tpu.memory_space<semaphore_mem>>) src(%dma_wait3A_121 : memref<1000000x32xf32, #tpu.memory_space<hbm>>) dst(%dma_wait3A_115 : memref<1600x32xf32, #tpu.memory_space<vmem>>)
      %mul3A_122 = arith.constant 32 : i32
      %mul3A_123 = arith.muli %add3A_109, %mul3A_122 : i32
      %add3A_124 = arith.addi %mul3A_2, %mul3A_123 : i32
      %scan3A_125 = arith.constant 0 : i32
      %scan3A_126 = arith.constant 32 : i32
      %scan3A_127 = arith.addi %scan3A_125, %scan3A_126 : i32
      %scan3A_128 = arith.constant 1 : i32
      scf.for %scan3A_214 = %scan3A_125 to %scan3A_127 step %scan3A_128  : i32 {
        %mul3A_215 = arith.constant 1 : i32
        %mul3A_216 = arith.muli %scan3A_214, %mul3A_215 : i32
        %add3A_217 = arith.constant 0 : i32
        %add3A_218 = arith.addi %add3A_217, %mul3A_216 : i32
        %mul3A_219 = arith.constant 50 : i32
        %mul3A_220 = arith.muli %add3A_218, %mul3A_219 : i32
        %add3A_221 = arith.addi %add3A_124, %add3A_218 : i32
        %dma_start3A_222 = arith.constant 0 : i32
        %dma_start3A_223 = arith.constant 0 : i32
        %dma_start3A_224 = arith.constant 0 : i32
        %dma_start3A_225 = tpu.memref_slice %arg7[%dma_start3A_222, %dma_start3A_223, %dma_start3A_224] : memref<2x1600x32xf32, #tpu.memory_space<vmem>> -> memref<1x1600x32xf32, #tpu.memory_space<vmem>>
        %dma_start3A_226 = tpu.memref_squeeze %dma_start3A_225 : memref<1x1600x32xf32, #tpu.memory_space<vmem>> -> memref<1600x32xf32, #tpu.memory_space<vmem>>
        %dma_start3A_227 = arith.constant 0 : i32
        %dma_start3A_228 = tpu.memref_slice %dma_start3A_226[%mul3A_220, %dma_start3A_227] : memref<1600x32xf32, #tpu.memory_space<vmem>> -> memref<50x32xf32, #tpu.memory_space<vmem>>
        %dma_start3A_229 = arith.constant 0 : i32
        %dma_start3A_230 = arith.constant 0 : i32
        %dma_start3A_231 = tpu.memref_slice %arg4[%add3A_221, %dma_start3A_229, %dma_start3A_230] : memref<16384x50x32xf32, #tpu.memory_space<hbm>> -> memref<1x50x32xf32, #tpu.memory_space<hbm>>
        %dma_start3A_232 = tpu.memref_squeeze %dma_start3A_231 : memref<1x50x32xf32, #tpu.memory_space<hbm>> -> memref<50x32xf32, #tpu.memory_space<hbm>>
        %dma_start3A_233 = arith.constant 0 : i32
        %dma_start3A_234 = arith.constant 0 : i32
        %dma_start3A_235 = tpu.memref_slice %arg4[%add3A_221, %dma_start3A_233, %dma_start3A_234] : memref<16384x50x32xf32, #tpu.memory_space<hbm>> -> memref<1x50x32xf32, #tpu.memory_space<hbm>>
        %dma_start3A_236 = tpu.memref_squeeze %dma_start3A_235 : memref<1x50x32xf32, #tpu.memory_space<hbm>> -> memref<50x32xf32, #tpu.memory_space<hbm>>
        %dma_start3A_237 = arith.constant 0 : i32
        %dma_start3A_238 = arith.constant 0 : i32
        %dma_start3A_239 = tpu.memref_slice %arg7[%dma_start3A_222, %dma_start3A_237, %dma_start3A_238] : memref<2x1600x32xf32, #tpu.memory_space<vmem>> -> memref<1x1600x32xf32, #tpu.memory_space<vmem>>
        %dma_start3A_240 = tpu.memref_squeeze %dma_start3A_239 : memref<1x1600x32xf32, #tpu.memory_space<vmem>> -> memref<1600x32xf32, #tpu.memory_space<vmem>>
        %dma_start3A_241 = arith.constant 0 : i32
        %dma_start3A_242 = tpu.memref_slice %dma_start3A_240[%mul3A_220, %dma_start3A_241] : memref<1600x32xf32, #tpu.memory_space<vmem>> -> memref<50x32xf32, #tpu.memory_space<vmem>>
        tpu.enqueue_dma source(%dma_start3A_242 : memref<50x32xf32, #tpu.memory_space<vmem>>) target(%dma_start3A_236 : memref<50x32xf32, #tpu.memory_space<hbm>>) target_semaphore(%arg9 : memref<!tpu.dma_semaphore, #tpu.memory_space<semaphore_mem>>)
      }
      %scan3A_129 = arith.constant 32 : i32
      %mul3A_130 = arith.constant 32 : i32
      %mul3A_131 = arith.muli %add3A_109, %mul3A_130 : i32
      %add3A_132 = arith.addi %mul3A_2, %mul3A_131 : i32
      %scan3A_133 = arith.constant 0 : i32
      %scan3A_134 = arith.constant 32 : i32
      %scan3A_135 = arith.addi %scan3A_133, %scan3A_134 : i32
      %scan3A_136 = arith.constant 1 : i32
      scf.for %scan3A_214 = %scan3A_133 to %scan3A_135 step %scan3A_136  : i32 {
        %mul3A_215 = arith.constant 1 : i32
        %mul3A_216 = arith.muli %scan3A_214, %mul3A_215 : i32
        %add3A_217 = arith.constant 0 : i32
        %add3A_218 = arith.addi %add3A_217, %mul3A_216 : i32
        %mul3A_219 = arith.constant 50 : i32
        %mul3A_220 = arith.muli %add3A_218, %mul3A_219 : i32
        %add3A_221 = arith.addi %add3A_132, %add3A_218 : i32
        %dma_wait3A_222 = arith.constant 0 : i32
        %dma_wait3A_223 = arith.constant 0 : i32
        %dma_wait3A_224 = arith.constant 0 : i32
        %dma_wait3A_225 = tpu.memref_slice %arg7[%dma_wait3A_222, %dma_wait3A_223, %dma_wait3A_224] : memref<2x1600x32xf32, #tpu.memory_space<vmem>> -> memref<1x1600x32xf32, #tpu.memory_space<vmem>>
        %dma_wait3A_226 = tpu.memref_squeeze %dma_wait3A_225 : memref<1x1600x32xf32, #tpu.memory_space<vmem>> -> memref<1600x32xf32, #tpu.memory_space<vmem>>
        %dma_wait3A_227 = arith.constant 0 : i32
        %dma_wait3A_228 = tpu.memref_slice %dma_wait3A_226[%mul3A_220, %dma_wait3A_227] : memref<1600x32xf32, #tpu.memory_space<vmem>> -> memref<50x32xf32, #tpu.memory_space<vmem>>
        %dma_wait3A_229 = arith.constant 0 : i32
        %dma_wait3A_230 = arith.constant 0 : i32
        %dma_wait3A_231 = tpu.memref_slice %arg4[%add3A_221, %dma_wait3A_229, %dma_wait3A_230] : memref<16384x50x32xf32, #tpu.memory_space<hbm>> -> memref<1x50x32xf32, #tpu.memory_space<hbm>>
        %dma_wait3A_232 = tpu.memref_squeeze %dma_wait3A_231 : memref<1x50x32xf32, #tpu.memory_space<hbm>> -> memref<50x32xf32, #tpu.memory_space<hbm>>
        %dma_wait3A_233 = arith.constant 0 : i32
        %dma_wait3A_234 = arith.constant 0 : i32
        %dma_wait3A_235 = tpu.memref_slice %arg4[%add3A_221, %dma_wait3A_233, %dma_wait3A_234] : memref<16384x50x32xf32, #tpu.memory_space<hbm>> -> memref<1x50x32xf32, #tpu.memory_space<hbm>>
        %dma_wait3A_236 = tpu.memref_squeeze %dma_wait3A_235 : memref<1x50x32xf32, #tpu.memory_space<hbm>> -> memref<50x32xf32, #tpu.memory_space<hbm>>
        %dma_wait3A_237 = arith.constant 0 : i32
        %dma_wait3A_238 = arith.constant 0 : i32
        %dma_wait3A_239 = tpu.memref_slice %arg7[%dma_wait3A_222, %dma_wait3A_237, %dma_wait3A_238] : memref<2x1600x32xf32, #tpu.memory_space<vmem>> -> memref<1x1600x32xf32, #tpu.memory_space<vmem>>
        %dma_wait3A_240 = tpu.memref_squeeze %dma_wait3A_239 : memref<1x1600x32xf32, #tpu.memory_space<vmem>> -> memref<1600x32xf32, #tpu.memory_space<vmem>>
        %dma_wait3A_241 = arith.constant 0 : i32
        %dma_wait3A_242 = tpu.memref_slice %dma_wait3A_240[%mul3A_220, %dma_wait3A_241] : memref<1600x32xf32, #tpu.memory_space<vmem>> -> memref<50x32xf32, #tpu.memory_space<vmem>>
        tpu.wait_dma2 semaphore(%arg9 : memref<!tpu.dma_semaphore, #tpu.memory_space<semaphore_mem>>) src(%dma_wait3A_242 : memref<50x32xf32, #tpu.memory_space<vmem>>) dst(%dma_wait3A_236 : memref<50x32xf32, #tpu.memory_space<hbm>>)
      }
      %scan3A_137 = arith.constant 32 : i32
      %add3A_138 = arith.constant 2 : i32
      %add3A_139 = arith.addi %add3A_109, %add3A_138 : i32
      %mul3A_140 = arith.constant 16 : i32
      %mul3A_141 = arith.muli %add3A, %mul3A_140 : i32
      %add3A_142 = arith.addi %mul3A_141, %add3A_139 : i32
      %run_scoped3A_143 = arith.constant 0 : i32
      "tpu.region"() ({
        %run_scoped3A_214 = tpu.sem_alloc : memref<!tpu.dma_semaphore, #tpu.memory_space<semaphore_mem>>
        %dma_start3A_215 = arith.constant 0 : i32
        %dma_start3A_216 = arith.constant 0 : i32
        %dma_start3A_217 = tpu.memref_slice %arg5[%run_scoped3A_143, %dma_start3A_215, %dma_start3A_216] : memref<2x1x1600xi32, #tpu.memory_space<vmem>> -> memref<1x1x1600xi32, #tpu.memory_space<vmem>>
        %dma_start3A_218 = tpu.memref_squeeze %dma_start3A_217 : memref<1x1x1600xi32, #tpu.memory_space<vmem>> -> memref<1x1600xi32, #tpu.memory_space<vmem>>
        %dma_start3A_219 = arith.constant 0 : i32
        %dma_start3A_220 = tpu.memref_slice %arg2[%add3A_142, %dma_start3A_219] : memref<512x1600xi32, #tpu.memory_space<hbm>> -> memref<1x1600xi32, #tpu.memory_space<hbm>>
        %dma_start3A_221 = arith.constant 0 : i32
        %dma_start3A_222 = arith.constant 0 : i32
        %dma_start3A_223 = tpu.memref_slice %arg5[%run_scoped3A_143, %dma_start3A_221, %dma_start3A_222] : memref<2x1x1600xi32, #tpu.memory_space<vmem>> -> memref<1x1x1600xi32, #tpu.memory_space<vmem>>
        %dma_start3A_224 = tpu.memref_squeeze %dma_start3A_223 : memref<1x1x1600xi32, #tpu.memory_space<vmem>> -> memref<1x1600xi32, #tpu.memory_space<vmem>>
        %dma_start3A_225 = arith.constant 0 : i32
        %dma_start3A_226 = tpu.memref_slice %arg2[%add3A_142, %dma_start3A_225] : memref<512x1600xi32, #tpu.memory_space<hbm>> -> memref<1x1600xi32, #tpu.memory_space<hbm>>
        tpu.enqueue_dma source(%dma_start3A_226 : memref<1x1600xi32, #tpu.memory_space<hbm>>) target(%dma_start3A_224 : memref<1x1600xi32, #tpu.memory_space<vmem>>) target_semaphore(%run_scoped3A_214 : memref<!tpu.dma_semaphore, #tpu.memory_space<semaphore_mem>>)
        %dma_wait3A_227 = arith.constant 0 : i32
        %dma_wait3A_228 = arith.constant 0 : i32
        %dma_wait3A_229 = tpu.memref_slice %arg5[%run_scoped3A_143, %dma_wait3A_227, %dma_wait3A_228] : memref<2x1x1600xi32, #tpu.memory_space<vmem>> -> memref<1x1x1600xi32, #tpu.memory_space<vmem>>
        %dma_wait3A_230 = tpu.memref_squeeze %dma_wait3A_229 : memref<1x1x1600xi32, #tpu.memory_space<vmem>> -> memref<1x1600xi32, #tpu.memory_space<vmem>>
        %dma_wait3A_231 = arith.constant 0 : i32
        %dma_wait3A_232 = tpu.memref_slice %arg2[%add3A_142, %dma_wait3A_231] : memref<512x1600xi32, #tpu.memory_space<hbm>> -> memref<1x1600xi32, #tpu.memory_space<hbm>>
        %dma_wait3A_233 = arith.constant 0 : i32
        %dma_wait3A_234 = arith.constant 0 : i32
        %dma_wait3A_235 = tpu.memref_slice %arg5[%run_scoped3A_143, %dma_wait3A_233, %dma_wait3A_234] : memref<2x1x1600xi32, #tpu.memory_space<vmem>> -> memref<1x1x1600xi32, #tpu.memory_space<vmem>>
        %dma_wait3A_236 = tpu.memref_squeeze %dma_wait3A_235 : memref<1x1x1600xi32, #tpu.memory_space<vmem>> -> memref<1x1600xi32, #tpu.memory_space<vmem>>
        %dma_wait3A_237 = arith.constant 0 : i32
        %dma_wait3A_238 = tpu.memref_slice %arg2[%add3A_142, %dma_wait3A_237] : memref<512x1600xi32, #tpu.memory_space<hbm>> -> memref<1x1600xi32, #tpu.memory_space<hbm>>
        tpu.wait_dma2 semaphore(%run_scoped3A_214 : memref<!tpu.dma_semaphore, #tpu.memory_space<semaphore_mem>>) src(%dma_wait3A_238 : memref<1x1600xi32, #tpu.memory_space<hbm>>) dst(%dma_wait3A_236 : memref<1x1600xi32, #tpu.memory_space<vmem>>)
        tpu.yield
      }) : () -> ()
      %scan3A_144 = arith.constant 0 : i32
      %scan3A_145 = arith.constant 100 : i32
      %scan3A_146 = arith.addi %scan3A_144, %scan3A_145 : i32
      %scan3A_147 = arith.constant 1 : i32
      scf.for %scan3A_214 = %scan3A_144 to %scan3A_146 step %scan3A_147  : i32 {
        %mul3A_215 = arith.constant 1 : i32
        %mul3A_216 = arith.muli %scan3A_214, %mul3A_215 : i32
        %add3A_217 = arith.constant 0 : i32
        %add3A_218 = arith.addi %add3A_217, %mul3A_216 : i32
        %mul3A_219 = arith.constant 16 : i32
        %mul3A_220 = arith.muli %add3A_218, %mul3A_219 : i32
        %add3A_221 = vector.broadcast %mul3A_220 : i32 to vector<16xi32>
        %add3A_222 = arith.addi %add3A_221, %iota3A : vector<16xi32>
        %gather3A = arith.constant 0 : i32
        %gather3A_223 = arith.constant 0 : i32
        %gather3A_224 = arith.constant 0 : i32
        %gather3A_225 = tpu.memref_slice %arg5[%gather3A, %gather3A_223, %gather3A_224] : memref<2x1x1600xi32, #tpu.memory_space<vmem>> -> memref<1x1x1600xi32, #tpu.memory_space<vmem>>
        %gather3A_226 = tpu.memref_squeeze %gather3A_225 : memref<1x1x1600xi32, #tpu.memory_space<vmem>> -> memref<1x1600xi32, #tpu.memory_space<vmem>>
        %gather3A_227 = tpu.vector_load_idx %gather3A_226[%mul3A_5, %add3A_222] : memref<1x1600xi32, #tpu.memory_space<vmem>>[vector<16xi32>, vector<16xi32>], vector<16xi32>,
        %mul3A_228 = arith.constant 16 : i32
        %mul3A_229 = arith.muli %add3A_218, %mul3A_228 : i32
        %swap3A = arith.constant 0 : i32
        %swap3A_230 = arith.constant 0 : i32
        %swap3A_231 = tpu.memref_slice %arg6[%swap3A, %swap3A_230] : memref<2x1600xi32, #tpu.memory_space<vmem>> -> memref<1x1600xi32, #tpu.memory_space<vmem>>
        %swap3A_232 = tpu.memref_squeeze %swap3A_231 : memref<1x1600xi32, #tpu.memory_space<vmem>> -> memref<1600xi32, #tpu.memory_space<vmem>>
        %swap3A_233 = arith.index_cast %mul3A_229 : i32 to index
        %swap3A_234 = tpu.vector_load %swap3A_232[%swap3A_233] {strides = array<i32>} : memref<1600xi32, #tpu.memory_space<vmem>>, vector<16xi32>,
        tpu.vector_store %swap3A_232[%swap3A_233], %gather3A_227 {strides = array<i32>} : memref<1600xi32, #tpu.memory_space<vmem>>, vector<16xi32>,
      }
      %scan3A_148 = arith.constant 100 : i32
      %dma_start3A_149 = arith.constant 0 : i32
      %dma_start3A_150 = arith.constant 0 : i32
      %dma_start3A_151 = arith.constant 0 : i32
      %dma_start3A_152 = arith.constant 0 : i32
      %dma_start3A_153 = tpu.memref_slice %arg7[%dma_start3A_150, %dma_start3A_151, %dma_start3A_152] : memref<2x1600x32xf32, #tpu.memory_space<vmem>> -> memref<1x1600x32xf32, #tpu.memory_space<vmem>>
      %dma_start3A_154 = tpu.memref_squeeze %dma_start3A_153 : memref<1x1600x32xf32, #tpu.memory_space<vmem>> -> memref<1600x32xf32, #tpu.memory_space<vmem>>
      %dma_start3A_155 = arith.constant 0 : i32
      %dma_start3A_156 = tpu.memref_slice %arg6[%dma_start3A_149, %dma_start3A_155] : memref<2x1600xi32, #tpu.memory_space<vmem>> -> memref<1x1600xi32, #tpu.memory_space<vmem>>
      %dma_start3A_157 = tpu.memref_squeeze %dma_start3A_156 : memref<1x1600xi32, #tpu.memory_space<vmem>> -> memref<1600xi32, #tpu.memory_space<vmem>>
      %dma_start3A_158 = arith.constant 0 : i32
      %dma_start3A_159 = arith.constant 0 : i32
      %dma_start3A_160 = tpu.memref_slice %arg3[%dma_start3A_158, %dma_start3A_159] : memref<1000000x32xf32, #tpu.memory_space<hbm>> -> memref<1000000x32xf32, #tpu.memory_space<hbm>>
      tpu.enqueue_indirect_dma source(%dma_start3A_160 : memref<1000000x32xf32, #tpu.memory_space<hbm>>) target(%dma_start3A_154 : memref<1600x32xf32, #tpu.memory_space<vmem>>) offsets(%dma_start3A_157 : memref<1600xi32, #tpu.memory_space<vmem>>) semaphore(%arg8 : memref<!tpu.dma_semaphore, #tpu.memory_space<semaphore_mem>>)
      %add3A_161 = arith.constant 1 : i32
      %add3A_162 = arith.addi %add3A_107, %add3A_161 : i32
      %dma_wait3A_163 = arith.constant 1 : i32
      %dma_wait3A_164 = arith.constant 1 : i32
      %dma_wait3A_165 = arith.constant 0 : i32
      %dma_wait3A_166 = arith.constant 0 : i32
      %dma_wait3A_167 = tpu.memref_slice %arg7[%dma_wait3A_164, %dma_wait3A_165, %dma_wait3A_166] : memref<2x1600x32xf32, #tpu.memory_space<vmem>> -> memref<1x1600x32xf32, #tpu.memory_space<vmem>>
      %dma_wait3A_168 = tpu.memref_squeeze %dma_wait3A_167 : memref<1x1600x32xf32, #tpu.memory_space<vmem>> -> memref<1600x32xf32, #tpu.memory_space<vmem>>
      %dma_wait3A_169 = arith.constant 0 : i32
      %dma_wait3A_170 = tpu.memref_slice %arg6[%dma_wait3A_163, %dma_wait3A_169] : memref<2x1600xi32, #tpu.memory_space<vmem>> -> memref<1x1600xi32, #tpu.memory_space<vmem>>
      %dma_wait3A_171 = tpu.memref_squeeze %dma_wait3A_170 : memref<1x1600xi32, #tpu.memory_space<vmem>> -> memref<1600xi32, #tpu.memory_space<vmem>>
      %dma_wait3A_172 = arith.constant 0 : i32
      %dma_wait3A_173 = arith.constant 0 : i32
      %dma_wait3A_174 = tpu.memref_slice %arg3[%dma_wait3A_172, %dma_wait3A_173] : memref<1000000x32xf32, #tpu.memory_space<hbm>> -> memref<1000000x32xf32, #tpu.memory_space<hbm>>
      tpu.wait_indirect_dma semaphore(%arg8 : memref<!tpu.dma_semaphore, #tpu.memory_space<semaphore_mem>>) src(%dma_wait3A_174 : memref<1000000x32xf32, #tpu.memory_space<hbm>>) dst(%dma_wait3A_168 : memref<1600x32xf32, #tpu.memory_space<vmem>>)
      %mul3A_175 = arith.constant 32 : i32
      %mul3A_176 = arith.muli %add3A_162, %mul3A_175 : i32
      %add3A_177 = arith.addi %mul3A_2, %mul3A_176 : i32
      %scan3A_178 = arith.constant 0 : i32
      %scan3A_179 = arith.constant 32 : i32
      %scan3A_180 = arith.addi %scan3A_178, %scan3A_179 : i32
      %scan3A_181 = arith.constant 1 : i32
      scf.for %scan3A_214 = %scan3A_178 to %scan3A_180 step %scan3A_181  : i32 {
        %mul3A_215 = arith.constant 1 : i32
        %mul3A_216 = arith.muli %scan3A_214, %mul3A_215 : i32
        %add3A_217 = arith.constant 0 : i32
        %add3A_218 = arith.addi %add3A_217, %mul3A_216 : i32
        %mul3A_219 = arith.constant 50 : i32
        %mul3A_220 = arith.muli %add3A_218, %mul3A_219 : i32
        %add3A_221 = arith.addi %add3A_177, %add3A_218 : i32
        %dma_start3A_222 = arith.constant 1 : i32
        %dma_start3A_223 = arith.constant 0 : i32
        %dma_start3A_224 = arith.constant 0 : i32
        %dma_start3A_225 = tpu.memref_slice %arg7[%dma_start3A_222, %dma_start3A_223, %dma_start3A_224] : memref<2x1600x32xf32, #tpu.memory_space<vmem>> -> memref<1x1600x32xf32, #tpu.memory_space<vmem>>
        %dma_start3A_226 = tpu.memref_squeeze %dma_start3A_225 : memref<1x1600x32xf32, #tpu.memory_space<vmem>> -> memref<1600x32xf32, #tpu.memory_space<vmem>>
        %dma_start3A_227 = arith.constant 0 : i32
        %dma_start3A_228 = tpu.memref_slice %dma_start3A_226[%mul3A_220, %dma_start3A_227] : memref<1600x32xf32, #tpu.memory_space<vmem>> -> memref<50x32xf32, #tpu.memory_space<vmem>>
        %dma_start3A_229 = arith.constant 0 : i32
        %dma_start3A_230 = arith.constant 0 : i32
        %dma_start3A_231 = tpu.memref_slice %arg4[%add3A_221, %dma_start3A_229, %dma_start3A_230] : memref<16384x50x32xf32, #tpu.memory_space<hbm>> -> memref<1x50x32xf32, #tpu.memory_space<hbm>>
        %dma_start3A_232 = tpu.memref_squeeze %dma_start3A_231 : memref<1x50x32xf32, #tpu.memory_space<hbm>> -> memref<50x32xf32, #tpu.memory_space<hbm>>
        %dma_start3A_233 = arith.constant 0 : i32
        %dma_start3A_234 = arith.constant 0 : i32
        %dma_start3A_235 = tpu.memref_slice %arg4[%add3A_221, %dma_start3A_233, %dma_start3A_234] : memref<16384x50x32xf32, #tpu.memory_space<hbm>> -> memref<1x50x32xf32, #tpu.memory_space<hbm>>
        %dma_start3A_236 = tpu.memref_squeeze %dma_start3A_235 : memref<1x50x32xf32, #tpu.memory_space<hbm>> -> memref<50x32xf32, #tpu.memory_space<hbm>>
        %dma_start3A_237 = arith.constant 0 : i32
        %dma_start3A_238 = arith.constant 0 : i32
        %dma_start3A_239 = tpu.memref_slice %arg7[%dma_start3A_222, %dma_start3A_237, %dma_start3A_238] : memref<2x1600x32xf32, #tpu.memory_space<vmem>> -> memref<1x1600x32xf32, #tpu.memory_space<vmem>>
        %dma_start3A_240 = tpu.memref_squeeze %dma_start3A_239 : memref<1x1600x32xf32, #tpu.memory_space<vmem>> -> memref<1600x32xf32, #tpu.memory_space<vmem>>
        %dma_start3A_241 = arith.constant 0 : i32
        %dma_start3A_242 = tpu.memref_slice %dma_start3A_240[%mul3A_220, %dma_start3A_241] : memref<1600x32xf32, #tpu.memory_space<vmem>> -> memref<50x32xf32, #tpu.memory_space<vmem>>
        tpu.enqueue_dma source(%dma_start3A_242 : memref<50x32xf32, #tpu.memory_space<vmem>>) target(%dma_start3A_236 : memref<50x32xf32, #tpu.memory_space<hbm>>) target_semaphore(%arg9 : memref<!tpu.dma_semaphore, #tpu.memory_space<semaphore_mem>>)
      }
      %scan3A_182 = arith.constant 32 : i32
      %mul3A_183 = arith.constant 32 : i32
      %mul3A_184 = arith.muli %add3A_162, %mul3A_183 : i32
      %add3A_185 = arith.addi %mul3A_2, %mul3A_184 : i32
      %scan3A_186 = arith.constant 0 : i32
      %scan3A_187 = arith.constant 32 : i32
      %scan3A_188 = arith.addi %scan3A_186, %scan3A_187 : i32
      %scan3A_189 = arith.constant 1 : i32
      scf.for %scan3A_214 = %scan3A_186 to %scan3A_188 step %scan3A_189  : i32 {
        %mul3A_215 = arith.constant 1 : i32
        %mul3A_216 = arith.muli %scan3A_214, %mul3A_215 : i32
        %add3A_217 = arith.constant 0 : i32
        %add3A_218 = arith.addi %add3A_217, %mul3A_216 : i32
        %mul3A_219 = arith.constant 50 : i32
        %mul3A_220 = arith.muli %add3A_218, %mul3A_219 : i32
        %add3A_221 = arith.addi %add3A_185, %add3A_218 : i32
        %dma_wait3A_222 = arith.constant 1 : i32
        %dma_wait3A_223 = arith.constant 0 : i32
        %dma_wait3A_224 = arith.constant 0 : i32
        %dma_wait3A_225 = tpu.memref_slice %arg7[%dma_wait3A_222, %dma_wait3A_223, %dma_wait3A_224] : memref<2x1600x32xf32, #tpu.memory_space<vmem>> -> memref<1x1600x32xf32, #tpu.memory_space<vmem>>
        %dma_wait3A_226 = tpu.memref_squeeze %dma_wait3A_225 : memref<1x1600x32xf32, #tpu.memory_space<vmem>> -> memref<1600x32xf32, #tpu.memory_space<vmem>>
        %dma_wait3A_227 = arith.constant 0 : i32
        %dma_wait3A_228 = tpu.memref_slice %dma_wait3A_226[%mul3A_220, %dma_wait3A_227] : memref<1600x32xf32, #tpu.memory_space<vmem>> -> memref<50x32xf32, #tpu.memory_space<vmem>>
        %dma_wait3A_229 = arith.constant 0 : i32
        %dma_wait3A_230 = arith.constant 0 : i32
        %dma_wait3A_231 = tpu.memref_slice %arg4[%add3A_221, %dma_wait3A_229, %dma_wait3A_230] : memref<16384x50x32xf32, #tpu.memory_space<hbm>> -> memref<1x50x32xf32, #tpu.memory_space<hbm>>
        %dma_wait3A_232 = tpu.memref_squeeze %dma_wait3A_231 : memref<1x50x32xf32, #tpu.memory_space<hbm>> -> memref<50x32xf32, #tpu.memory_space<hbm>>
        %dma_wait3A_233 = arith.constant 0 : i32
        %dma_wait3A_234 = arith.constant 0 : i32
        %dma_wait3A_235 = tpu.memref_slice %arg4[%add3A_221, %dma_wait3A_233, %dma_wait3A_234] : memref<16384x50x32xf32, #tpu.memory_space<hbm>> -> memref<1x50x32xf32, #tpu.memory_space<hbm>>
        %dma_wait3A_236 = tpu.memref_squeeze %dma_wait3A_235 : memref<1x50x32xf32, #tpu.memory_space<hbm>> -> memref<50x32xf32, #tpu.memory_space<hbm>>
        %dma_wait3A_237 = arith.constant 0 : i32
        %dma_wait3A_238 = arith.constant 0 : i32
        %dma_wait3A_239 = tpu.memref_slice %arg7[%dma_wait3A_222, %dma_wait3A_237, %dma_wait3A_238] : memref<2x1600x32xf32, #tpu.memory_space<vmem>> -> memref<1x1600x32xf32, #tpu.memory_space<vmem>>
        %dma_wait3A_240 = tpu.memref_squeeze %dma_wait3A_239 : memref<1x1600x32xf32, #tpu.memory_space<vmem>> -> memref<1600x32xf32, #tpu.memory_space<vmem>>
        %dma_wait3A_241 = arith.constant 0 : i32
        %dma_wait3A_242 = tpu.memref_slice %dma_wait3A_240[%mul3A_220, %dma_wait3A_241] : memref<1600x32xf32, #tpu.memory_space<vmem>> -> memref<50x32xf32, #tpu.memory_space<vmem>>
        tpu.wait_dma2 semaphore(%arg9 : memref<!tpu.dma_semaphore, #tpu.memory_space<semaphore_mem>>) src(%dma_wait3A_242 : memref<50x32xf32, #tpu.memory_space<vmem>>) dst(%dma_wait3A_236 : memref<50x32xf32, #tpu.memory_space<hbm>>)
      }
      %scan3A_190 = arith.constant 32 : i32
      %add3A_191 = arith.constant 2 : i32
      %add3A_192 = arith.addi %add3A_162, %add3A_191 : i32
      %mul3A_193 = arith.constant 16 : i32
      %mul3A_194 = arith.muli %add3A, %mul3A_193 : i32
      %add3A_195 = arith.addi %mul3A_194, %add3A_192 : i32
      %run_scoped3A_196 = arith.constant 1 : i32
      "tpu.region"() ({
        %run_scoped3A_214 = tpu.sem_alloc : memref<!tpu.dma_semaphore, #tpu.memory_space<semaphore_mem>>
        %dma_start3A_215 = arith.constant 0 : i32
        %dma_start3A_216 = arith.constant 0 : i32
        %dma_start3A_217 = tpu.memref_slice %arg5[%run_scoped3A_196, %dma_start3A_215, %dma_start3A_216] : memref<2x1x1600xi32, #tpu.memory_space<vmem>> -> memref<1x1x1600xi32, #tpu.memory_space<vmem>>
        %dma_start3A_218 = tpu.memref_squeeze %dma_start3A_217 : memref<1x1x1600xi32, #tpu.memory_space<vmem>> -> memref<1x1600xi32, #tpu.memory_space<vmem>>
        %dma_start3A_219 = arith.constant 0 : i32
        %dma_start3A_220 = tpu.memref_slice %arg2[%add3A_195, %dma_start3A_219] : memref<512x1600xi32, #tpu.memory_space<hbm>> -> memref<1x1600xi32, #tpu.memory_space<hbm>>
        %dma_start3A_221 = arith.constant 0 : i32
        %dma_start3A_222 = arith.constant 0 : i32
        %dma_start3A_223 = tpu.memref_slice %arg5[%run_scoped3A_196, %dma_start3A_221, %dma_start3A_222] : memref<2x1x1600xi32, #tpu.memory_space<vmem>> -> memref<1x1x1600xi32, #tpu.memory_space<vmem>>
        %dma_start3A_224 = tpu.memref_squeeze %dma_start3A_223 : memref<1x1x1600xi32, #tpu.memory_space<vmem>> -> memref<1x1600xi32, #tpu.memory_space<vmem>>
        %dma_start3A_225 = arith.constant 0 : i32
        %dma_start3A_226 = tpu.memref_slice %arg2[%add3A_195, %dma_start3A_225] : memref<512x1600xi32, #tpu.memory_space<hbm>> -> memref<1x1600xi32, #tpu.memory_space<hbm>>
        tpu.enqueue_dma source(%dma_start3A_226 : memref<1x1600xi32, #tpu.memory_space<hbm>>) target(%dma_start3A_224 : memref<1x1600xi32, #tpu.memory_space<vmem>>) target_semaphore(%run_scoped3A_214 : memref<!tpu.dma_semaphore, #tpu.memory_space<semaphore_mem>>)
        %dma_wait3A_227 = arith.constant 0 : i32
        %dma_wait3A_228 = arith.constant 0 : i32
        %dma_wait3A_229 = tpu.memref_slice %arg5[%run_scoped3A_196, %dma_wait3A_227, %dma_wait3A_228] : memref<2x1x1600xi32, #tpu.memory_space<vmem>> -> memref<1x1x1600xi32, #tpu.memory_space<vmem>>
        %dma_wait3A_230 = tpu.memref_squeeze %dma_wait3A_229 : memref<1x1x1600xi32, #tpu.memory_space<vmem>> -> memref<1x1600xi32, #tpu.memory_space<vmem>>
        %dma_wait3A_231 = arith.constant 0 : i32
        %dma_wait3A_232 = tpu.memref_slice %arg2[%add3A_195, %dma_wait3A_231] : memref<512x1600xi32, #tpu.memory_space<hbm>> -> memref<1x1600xi32, #tpu.memory_space<hbm>>
        %dma_wait3A_233 = arith.constant 0 : i32
        %dma_wait3A_234 = arith.constant 0 : i32
        %dma_wait3A_235 = tpu.memref_slice %arg5[%run_scoped3A_196, %dma_wait3A_233, %dma_wait3A_234] : memref<2x1x1600xi32, #tpu.memory_space<vmem>> -> memref<1x1x1600xi32, #tpu.memory_space<vmem>>
        %dma_wait3A_236 = tpu.memref_squeeze %dma_wait3A_235 : memref<1x1x1600xi32, #tpu.memory_space<vmem>> -> memref<1x1600xi32, #tpu.memory_space<vmem>>
        %dma_wait3A_237 = arith.constant 0 : i32
        %dma_wait3A_238 = tpu.memref_slice %arg2[%add3A_195, %dma_wait3A_237] : memref<512x1600xi32, #tpu.memory_space<hbm>> -> memref<1x1600xi32, #tpu.memory_space<hbm>>
        tpu.wait_dma2 semaphore(%run_scoped3A_214 : memref<!tpu.dma_semaphore, #tpu.memory_space<semaphore_mem>>) src(%dma_wait3A_238 : memref<1x1600xi32, #tpu.memory_space<hbm>>) dst(%dma_wait3A_236 : memref<1x1600xi32, #tpu.memory_space<vmem>>)
        tpu.yield
      }) : () -> ()
      %scan3A_197 = arith.constant 0 : i32
      %scan3A_198 = arith.constant 100 : i32
      %scan3A_199 = arith.addi %scan3A_197, %scan3A_198 : i32
      %scan3A_200 = arith.constant 1 : i32
      scf.for %scan3A_214 = %scan3A_197 to %scan3A_199 step %scan3A_200  : i32 {
        %mul3A_215 = arith.constant 1 : i32
        %mul3A_216 = arith.muli %scan3A_214, %mul3A_215 : i32
        %add3A_217 = arith.constant 0 : i32
        %add3A_218 = arith.addi %add3A_217, %mul3A_216 : i32
        %mul3A_219 = arith.constant 16 : i32
        %mul3A_220 = arith.muli %add3A_218, %mul3A_219 : i32
        %add3A_221 = vector.broadcast %mul3A_220 : i32 to vector<16xi32>
        %add3A_222 = arith.addi %add3A_221, %iota3A : vector<16xi32>
        %gather3A = arith.constant 1 : i32
        %gather3A_223 = arith.constant 0 : i32
        %gather3A_224 = arith.constant 0 : i32
        %gather3A_225 = tpu.memref_slice %arg5[%gather3A, %gather3A_223, %gather3A_224] : memref<2x1x1600xi32, #tpu.memory_space<vmem>> -> memref<1x1x1600xi32, #tpu.memory_space<vmem>>
        %gather3A_226 = tpu.memref_squeeze %gather3A_225 : memref<1x1x1600xi32, #tpu.memory_space<vmem>> -> memref<1x1600xi32, #tpu.memory_space<vmem>>
        %gather3A_227 = tpu.vector_load_idx %gather3A_226[%mul3A_5, %add3A_222] : memref<1x1600xi32, #tpu.memory_space<vmem>>[vector<16xi32>, vector<16xi32>], vector<16xi32>,
        %mul3A_228 = arith.constant 16 : i32
        %mul3A_229 = arith.muli %add3A_218, %mul3A_228 : i32
        %swap3A = arith.constant 1 : i32
        %swap3A_230 = arith.constant 0 : i32
        %swap3A_231 = tpu.memref_slice %arg6[%swap3A, %swap3A_230] : memref<2x1600xi32, #tpu.memory_space<vmem>> -> memref<1x1600xi32, #tpu.memory_space<vmem>>
        %swap3A_232 = tpu.memref_squeeze %swap3A_231 : memref<1x1600xi32, #tpu.memory_space<vmem>> -> memref<1600xi32, #tpu.memory_space<vmem>>
        %swap3A_233 = arith.index_cast %mul3A_229 : i32 to index
        %swap3A_234 = tpu.vector_load %swap3A_232[%swap3A_233] {strides = array<i32>} : memref<1600xi32, #tpu.memory_space<vmem>>, vector<16xi32>,
        tpu.vector_store %swap3A_232[%swap3A_233], %gather3A_227 {strides = array<i32>} : memref<1600xi32, #tpu.memory_space<vmem>>, vector<16xi32>,
      }
      %scan3A_201 = arith.constant 100 : i32
      %dma_start3A_202 = arith.constant 1 : i32
      %dma_start3A_203 = arith.constant 1 : i32
      %dma_start3A_204 = arith.constant 0 : i32
      %dma_start3A_205 = arith.constant 0 : i32
      %dma_start3A_206 = tpu.memref_slice %arg7[%dma_start3A_203, %dma_start3A_204, %dma_start3A_205] : memref<2x1600x32xf32, #tpu.memory_space<vmem>> -> memref<1x1600x32xf32, #tpu.memory_space<vmem>>
      %dma_start3A_207 = tpu.memref_squeeze %dma_start3A_206 : memref<1x1600x32xf32, #tpu.memory_space<vmem>> -> memref<1600x32xf32, #tpu.memory_space<vmem>>
      %dma_start3A_208 = arith.constant 0 : i32
      %dma_start3A_209 = tpu.memref_slice %arg6[%dma_start3A_202, %dma_start3A_208] : memref<2x1600xi32, #tpu.memory_space<vmem>> -> memref<1x1600xi32, #tpu.memory_space<vmem>>
      %dma_start3A_210 = tpu.memref_squeeze %dma_start3A_209 : memref<1x1600xi32, #tpu.memory_space<vmem>> -> memref<1600xi32, #tpu.memory_space<vmem>>
      %dma_start3A_211 = arith.constant 0 : i32
      %dma_start3A_212 = arith.constant 0 : i32
      %dma_start3A_213 = tpu.memref_slice %arg3[%dma_start3A_211, %dma_start3A_212] : memref<1000000x32xf32, #tpu.memory_space<hbm>> -> memref<1000000x32xf32, #tpu.memory_space<hbm>>
      tpu.enqueue_indirect_dma source(%dma_start3A_213 : memref<1000000x32xf32, #tpu.memory_space<hbm>>) target(%dma_start3A_207 : memref<1600x32xf32, #tpu.memory_space<vmem>>) offsets(%dma_start3A_210 : memref<1600xi32, #tpu.memory_space<vmem>>) semaphore(%arg8 : memref<!tpu.dma_semaphore, #tpu.memory_space<semaphore_mem>>)
    }
    %scan3A_51 = arith.constant 7 : i32
    %dma_wait3A = arith.constant 0 : i32
    %dma_wait3A_52 = arith.constant 0 : i32
    %dma_wait3A_53 = arith.constant 0 : i32
    %dma_wait3A_54 = arith.constant 0 : i32
    %dma_wait3A_55 = tpu.memref_slice %arg7[%dma_wait3A_52, %dma_wait3A_53, %dma_wait3A_54] : memref<2x1600x32xf32, #tpu.memory_space<vmem>> -> memref<1x1600x32xf32, #tpu.memory_space<vmem>>
    %dma_wait3A_56 = tpu.memref_squeeze %dma_wait3A_55 : memref<1x1600x32xf32, #tpu.memory_space<vmem>> -> memref<1600x32xf32, #tpu.memory_space<vmem>>
    %dma_wait3A_57 = arith.constant 0 : i32
    %dma_wait3A_58 = tpu.memref_slice %arg6[%dma_wait3A, %dma_wait3A_57] : memref<2x1600xi32, #tpu.memory_space<vmem>> -> memref<1x1600xi32, #tpu.memory_space<vmem>>
    %dma_wait3A_59 = tpu.memref_squeeze %dma_wait3A_58 : memref<1x1600xi32, #tpu.memory_space<vmem>> -> memref<1600xi32, #tpu.memory_space<vmem>>
    %dma_wait3A_60 = arith.constant 0 : i32
    %dma_wait3A_61 = arith.constant 0 : i32
    %dma_wait3A_62 = tpu.memref_slice %arg3[%dma_wait3A_60, %dma_wait3A_61] : memref<1000000x32xf32, #tpu.memory_space<hbm>> -> memref<1000000x32xf32, #tpu.memory_space<hbm>>
    tpu.wait_indirect_dma semaphore(%arg8 : memref<!tpu.dma_semaphore, #tpu.memory_space<semaphore_mem>>) src(%dma_wait3A_62 : memref<1000000x32xf32, #tpu.memory_space<hbm>>) dst(%dma_wait3A_56 : memref<1600x32xf32, #tpu.memory_space<vmem>>)
    %add3A_63 = arith.constant 448 : i32
    %add3A_64 = arith.addi %mul3A_2, %add3A_63 : i32
    %scan3A_65 = arith.constant 0 : i32
    %scan3A_66 = arith.constant 32 : i32
    %scan3A_67 = arith.addi %scan3A_65, %scan3A_66 : i32
    %scan3A_68 = arith.constant 1 : i32
    scf.for %scan3A_103 = %scan3A_65 to %scan3A_67 step %scan3A_68  : i32 {
      %mul3A_104 = arith.constant 1 : i32
      %mul3A_105 = arith.muli %scan3A_103, %mul3A_104 : i32
      %add3A_106 = arith.constant 0 : i32
      %add3A_107 = arith.addi %add3A_106, %mul3A_105 : i32
      %mul3A_108 = arith.constant 50 : i32
      %mul3A_109 = arith.muli %add3A_107, %mul3A_108 : i32
      %add3A_110 = arith.addi %add3A_64, %add3A_107 : i32
      %dma_start3A_111 = arith.constant 0 : i32
      %dma_start3A_112 = arith.constant 0 : i32
      %dma_start3A_113 = arith.constant 0 : i32
      %dma_start3A_114 = tpu.memref_slice %arg7[%dma_start3A_111, %dma_start3A_112, %dma_start3A_113] : memref<2x1600x32xf32, #tpu.memory_space<vmem>> -> memref<1x1600x32xf32, #tpu.memory_space<vmem>>
      %dma_start3A_115 = tpu.memref_squeeze %dma_start3A_114 : memref<1x1600x32xf32, #tpu.memory_space<vmem>> -> memref<1600x32xf32, #tpu.memory_space<vmem>>
      %dma_start3A_116 = arith.constant 0 : i32
      %dma_start3A_117 = tpu.memref_slice %dma_start3A_115[%mul3A_109, %dma_start3A_116] : memref<1600x32xf32, #tpu.memory_space<vmem>> -> memref<50x32xf32, #tpu.memory_space<vmem>>
      %dma_start3A_118 = arith.constant 0 : i32
      %dma_start3A_119 = arith.constant 0 : i32
      %dma_start3A_120 = tpu.memref_slice %arg4[%add3A_110, %dma_start3A_118, %dma_start3A_119] : memref<16384x50x32xf32, #tpu.memory_space<hbm>> -> memref<1x50x32xf32, #tpu.memory_space<hbm>>
      %dma_start3A_121 = tpu.memref_squeeze %dma_start3A_120 : memref<1x50x32xf32, #tpu.memory_space<hbm>> -> memref<50x32xf32, #tpu.memory_space<hbm>>
      %dma_start3A_122 = arith.constant 0 : i32
      %dma_start3A_123 = arith.constant 0 : i32
      %dma_start3A_124 = tpu.memref_slice %arg4[%add3A_110, %dma_start3A_122, %dma_start3A_123] : memref<16384x50x32xf32, #tpu.memory_space<hbm>> -> memref<1x50x32xf32, #tpu.memory_space<hbm>>
      %dma_start3A_125 = tpu.memref_squeeze %dma_start3A_124 : memref<1x50x32xf32, #tpu.memory_space<hbm>> -> memref<50x32xf32, #tpu.memory_space<hbm>>
      %dma_start3A_126 = arith.constant 0 : i32
      %dma_start3A_127 = arith.constant 0 : i32
      %dma_start3A_128 = tpu.memref_slice %arg7[%dma_start3A_111, %dma_start3A_126, %dma_start3A_127] : memref<2x1600x32xf32, #tpu.memory_space<vmem>> -> memref<1x1600x32xf32, #tpu.memory_space<vmem>>
      %dma_start3A_129 = tpu.memref_squeeze %dma_start3A_128 : memref<1x1600x32xf32, #tpu.memory_space<vmem>> -> memref<1600x32xf32, #tpu.memory_space<vmem>>
      %dma_start3A_130 = arith.constant 0 : i32
      %dma_start3A_131 = tpu.memref_slice %dma_start3A_129[%mul3A_109, %dma_start3A_130] : memref<1600x32xf32, #tpu.memory_space<vmem>> -> memref<50x32xf32, #tpu.memory_space<vmem>>
      tpu.enqueue_dma source(%dma_start3A_131 : memref<50x32xf32, #tpu.memory_space<vmem>>) target(%dma_start3A_125 : memref<50x32xf32, #tpu.memory_space<hbm>>) target_semaphore(%arg9 : memref<!tpu.dma_semaphore, #tpu.memory_space<semaphore_mem>>)
    }
    %scan3A_69 = arith.constant 32 : i32
    %dma_wait3A_70 = arith.constant 1 : i32
    %dma_wait3A_71 = arith.constant 1 : i32
    %dma_wait3A_72 = arith.constant 0 : i32
    %dma_wait3A_73 = arith.constant 0 : i32
    %dma_wait3A_74 = tpu.memref_slice %arg7[%dma_wait3A_71, %dma_wait3A_72, %dma_wait3A_73] : memref<2x1600x32xf32, #tpu.memory_space<vmem>> -> memref<1x1600x32xf32, #tpu.memory_space<vmem>>
    %dma_wait3A_75 = tpu.memref_squeeze %dma_wait3A_74 : memref<1x1600x32xf32, #tpu.memory_space<vmem>> -> memref<1600x32xf32, #tpu.memory_space<vmem>>
    %dma_wait3A_76 = arith.constant 0 : i32
    %dma_wait3A_77 = tpu.memref_slice %arg6[%dma_wait3A_70, %dma_wait3A_76] : memref<2x1600xi32, #tpu.memory_space<vmem>> -> memref<1x1600xi32, #tpu.memory_space<vmem>>
    %dma_wait3A_78 = tpu.memref_squeeze %dma_wait3A_77 : memref<1x1600xi32, #tpu.memory_space<vmem>> -> memref<1600xi32, #tpu.memory_space<vmem>>
    %dma_wait3A_79 = arith.constant 0 : i32
    %dma_wait3A_80 = arith.constant 0 : i32
    %dma_wait3A_81 = tpu.memref_slice %arg3[%dma_wait3A_79, %dma_wait3A_80] : memref<1000000x32xf32, #tpu.memory_space<hbm>> -> memref<1000000x32xf32, #tpu.memory_space<hbm>>
    tpu.wait_indirect_dma semaphore(%arg8 : memref<!tpu.dma_semaphore, #tpu.memory_space<semaphore_mem>>) src(%dma_wait3A_81 : memref<1000000x32xf32, #tpu.memory_space<hbm>>) dst(%dma_wait3A_75 : memref<1600x32xf32, #tpu.memory_space<vmem>>)
    %add3A_82 = arith.constant 480 : i32
    %add3A_83 = arith.addi %mul3A_2, %add3A_82 : i32
    %scan3A_84 = arith.constant 0 : i32
    %scan3A_85 = arith.constant 32 : i32
    %scan3A_86 = arith.addi %scan3A_84, %scan3A_85 : i32
    %scan3A_87 = arith.constant 1 : i32
    scf.for %scan3A_103 = %scan3A_84 to %scan3A_86 step %scan3A_87  : i32 {
      %mul3A_104 = arith.constant 1 : i32
      %mul3A_105 = arith.muli %scan3A_103, %mul3A_104 : i32
      %add3A_106 = arith.constant 0 : i32
      %add3A_107 = arith.addi %add3A_106, %mul3A_105 : i32
      %mul3A_108 = arith.constant 50 : i32
      %mul3A_109 = arith.muli %add3A_107, %mul3A_108 : i32
      %add3A_110 = arith.addi %add3A_83, %add3A_107 : i32
      %dma_start3A_111 = arith.constant 1 : i32
      %dma_start3A_112 = arith.constant 0 : i32
      %dma_start3A_113 = arith.constant 0 : i32
      %dma_start3A_114 = tpu.memref_slice %arg7[%dma_start3A_111, %dma_start3A_112, %dma_start3A_113] : memref<2x1600x32xf32, #tpu.memory_space<vmem>> -> memref<1x1600x32xf32, #tpu.memory_space<vmem>>
      %dma_start3A_115 = tpu.memref_squeeze %dma_start3A_114 : memref<1x1600x32xf32, #tpu.memory_space<vmem>> -> memref<1600x32xf32, #tpu.memory_space<vmem>>
      %dma_start3A_116 = arith.constant 0 : i32
      %dma_start3A_117 = tpu.memref_slice %dma_start3A_115[%mul3A_109, %dma_start3A_116] : memref<1600x32xf32, #tpu.memory_space<vmem>> -> memref<50x32xf32, #tpu.memory_space<vmem>>
      %dma_start3A_118 = arith.constant 0 : i32
      %dma_start3A_119 = arith.constant 0 : i32
      %dma_start3A_120 = tpu.memref_slice %arg4[%add3A_110, %dma_start3A_118, %dma_start3A_119] : memref<16384x50x32xf32, #tpu.memory_space<hbm>> -> memref<1x50x32xf32, #tpu.memory_space<hbm>>
      %dma_start3A_121 = tpu.memref_squeeze %dma_start3A_120 : memref<1x50x32xf32, #tpu.memory_space<hbm>> -> memref<50x32xf32, #tpu.memory_space<hbm>>
      %dma_start3A_122 = arith.constant 0 : i32
      %dma_start3A_123 = arith.constant 0 : i32
      %dma_start3A_124 = tpu.memref_slice %arg4[%add3A_110, %dma_start3A_122, %dma_start3A_123] : memref<16384x50x32xf32, #tpu.memory_space<hbm>> -> memref<1x50x32xf32, #tpu.memory_space<hbm>>
      %dma_start3A_125 = tpu.memref_squeeze %dma_start3A_124 : memref<1x50x32xf32, #tpu.memory_space<hbm>> -> memref<50x32xf32, #tpu.memory_space<hbm>>
      %dma_start3A_126 = arith.constant 0 : i32
      %dma_start3A_127 = arith.constant 0 : i32
      %dma_start3A_128 = tpu.memref_slice %arg7[%dma_start3A_111, %dma_start3A_126, %dma_start3A_127] : memref<2x1600x32xf32, #tpu.memory_space<vmem>> -> memref<1x1600x32xf32, #tpu.memory_space<vmem>>
      %dma_start3A_129 = tpu.memref_squeeze %dma_start3A_128 : memref<1x1600x32xf32, #tpu.memory_space<vmem>> -> memref<1600x32xf32, #tpu.memory_space<vmem>>
      %dma_start3A_130 = arith.constant 0 : i32
      %dma_start3A_131 = tpu.memref_slice %dma_start3A_129[%mul3A_109, %dma_start3A_130] : memref<1600x32xf32, #tpu.memory_space<vmem>> -> memref<50x32xf32, #tpu.memory_space<vmem>>
      tpu.enqueue_dma source(%dma_start3A_131 : memref<50x32xf32, #tpu.memory_space<vmem>>) target(%dma_start3A_125 : memref<50x32xf32, #tpu.memory_space<hbm>>) target_semaphore(%arg9 : memref<!tpu.dma_semaphore, #tpu.memory_space<semaphore_mem>>)
    }
    %scan3A_88 = arith.constant 32 : i32
    %add3A_89 = arith.constant 448 : i32
    %add3A_90 = arith.addi %mul3A_2, %add3A_89 : i32
    %scan3A_91 = arith.constant 0 : i32
    %scan3A_92 = arith.constant 32 : i32
    %scan3A_93 = arith.addi %scan3A_91, %scan3A_92 : i32
    %scan3A_94 = arith.constant 1 : i32
    scf.for %scan3A_103 = %scan3A_91 to %scan3A_93 step %scan3A_94  : i32 {
      %mul3A_104 = arith.constant 1 : i32
      %mul3A_105 = arith.muli %scan3A_103, %mul3A_104 : i32
      %add3A_106 = arith.constant 0 : i32
      %add3A_107 = arith.addi %add3A_106, %mul3A_105 : i32
      %mul3A_108 = arith.constant 50 : i32
      %mul3A_109 = arith.muli %add3A_107, %mul3A_108 : i32
      %add3A_110 = arith.addi %add3A_90, %add3A_107 : i32
      %dma_wait3A_111 = arith.constant 0 : i32
      %dma_wait3A_112 = arith.constant 0 : i32
      %dma_wait3A_113 = arith.constant 0 : i32
      %dma_wait3A_114 = tpu.memref_slice %arg7[%dma_wait3A_111, %dma_wait3A_112, %dma_wait3A_113] : memref<2x1600x32xf32, #tpu.memory_space<vmem>> -> memref<1x1600x32xf32, #tpu.memory_space<vmem>>
      %dma_wait3A_115 = tpu.memref_squeeze %dma_wait3A_114 : memref<1x1600x32xf32, #tpu.memory_space<vmem>> -> memref<1600x32xf32, #tpu.memory_space<vmem>>
      %dma_wait3A_116 = arith.constant 0 : i32
      %dma_wait3A_117 = tpu.memref_slice %dma_wait3A_115[%mul3A_109, %dma_wait3A_116] : memref<1600x32xf32, #tpu.memory_space<vmem>> -> memref<50x32xf32, #tpu.memory_space<vmem>>
      %dma_wait3A_118 = arith.constant 0 : i32
      %dma_wait3A_119 = arith.constant 0 : i32
      %dma_wait3A_120 = tpu.memref_slice %arg4[%add3A_110, %dma_wait3A_118, %dma_wait3A_119] : memref<16384x50x32xf32, #tpu.memory_space<hbm>> -> memref<1x50x32xf32, #tpu.memory_space<hbm>>
      %dma_wait3A_121 = tpu.memref_squeeze %dma_wait3A_120 : memref<1x50x32xf32, #tpu.memory_space<hbm>> -> memref<50x32xf32, #tpu.memory_space<hbm>>
      %dma_wait3A_122 = arith.constant 0 : i32
      %dma_wait3A_123 = arith.constant 0 : i32
      %dma_wait3A_124 = tpu.memref_slice %arg4[%add3A_110, %dma_wait3A_122, %dma_wait3A_123] : memref<16384x50x32xf32, #tpu.memory_space<hbm>> -> memref<1x50x32xf32, #tpu.memory_space<hbm>>
      %dma_wait3A_125 = tpu.memref_squeeze %dma_wait3A_124 : memref<1x50x32xf32, #tpu.memory_space<hbm>> -> memref<50x32xf32, #tpu.memory_space<hbm>>
      %dma_wait3A_126 = arith.constant 0 : i32
      %dma_wait3A_127 = arith.constant 0 : i32
      %dma_wait3A_128 = tpu.memref_slice %arg7[%dma_wait3A_111, %dma_wait3A_126, %dma_wait3A_127] : memref<2x1600x32xf32, #tpu.memory_space<vmem>> -> memref<1x1600x32xf32, #tpu.memory_space<vmem>>
      %dma_wait3A_129 = tpu.memref_squeeze %dma_wait3A_128 : memref<1x1600x32xf32, #tpu.memory_space<vmem>> -> memref<1600x32xf32, #tpu.memory_space<vmem>>
      %dma_wait3A_130 = arith.constant 0 : i32
      %dma_wait3A_131 = tpu.memref_slice %dma_wait3A_129[%mul3A_109, %dma_wait3A_130] : memref<1600x32xf32, #tpu.memory_space<vmem>> -> memref<50x32xf32, #tpu.memory_space<vmem>>
      tpu.wait_dma2 semaphore(%arg9 : memref<!tpu.dma_semaphore, #tpu.memory_space<semaphore_mem>>) src(%dma_wait3A_131 : memref<50x32xf32, #tpu.memory_space<vmem>>) dst(%dma_wait3A_125 : memref<50x32xf32, #tpu.memory_space<hbm>>)
    }
    %scan3A_95 = arith.constant 32 : i32
    %add3A_96 = arith.constant 480 : i32
    %add3A_97 = arith.addi %mul3A_2, %add3A_96 : i32
    %scan3A_98 = arith.constant 0 : i32
    %scan3A_99 = arith.constant 32 : i32
    %scan3A_100 = arith.addi %scan3A_98, %scan3A_99 : i32
    %scan3A_101 = arith.constant 1 : i32
    scf.for %scan3A_103 = %scan3A_98 to %scan3A_100 step %scan3A_101  : i32 {
      %mul3A_104 = arith.constant 1 : i32
      %mul3A_105 = arith.muli %scan3A_103, %mul3A_104 : i32
      %add3A_106 = arith.constant 0 : i32
      %add3A_107 = arith.addi %add3A_106, %mul3A_105 : i32
      %mul3A_108 = arith.constant 50 : i32
      %mul3A_109 = arith.muli %add3A_107, %mul3A_108 : i32
      %add3A_110 = arith.addi %add3A_97, %add3A_107 : i32
      %dma_wait3A_111 = arith.constant 1 : i32
      %dma_wait3A_112 = arith.constant 0 : i32
      %dma_wait3A_113 = arith.constant 0 : i32
      %dma_wait3A_114 = tpu.memref_slice %arg7[%dma_wait3A_111, %dma_wait3A_112, %dma_wait3A_113] : memref<2x1600x32xf32, #tpu.memory_space<vmem>> -> memref<1x1600x32xf32, #tpu.memory_space<vmem>>
      %dma_wait3A_115 = tpu.memref_squeeze %dma_wait3A_114 : memref<1x1600x32xf32, #tpu.memory_space<vmem>> -> memref<1600x32xf32, #tpu.memory_space<vmem>>
      %dma_wait3A_116 = arith.constant 0 : i32
      %dma_wait3A_117 = tpu.memref_slice %dma_wait3A_115[%mul3A_109, %dma_wait3A_116] : memref<1600x32xf32, #tpu.memory_space<vmem>> -> memref<50x32xf32, #tpu.memory_space<vmem>>
      %dma_wait3A_118 = arith.constant 0 : i32
      %dma_wait3A_119 = arith.constant 0 : i32
      %dma_wait3A_120 = tpu.memref_slice %arg4[%add3A_110, %dma_wait3A_118, %dma_wait3A_119] : memref<16384x50x32xf32, #tpu.memory_space<hbm>> -> memref<1x50x32xf32, #tpu.memory_space<hbm>>
      %dma_wait3A_121 = tpu.memref_squeeze %dma_wait3A_120 : memref<1x50x32xf32, #tpu.memory_space<hbm>> -> memref<50x32xf32, #tpu.memory_space<hbm>>
      %dma_wait3A_122 = arith.constant 0 : i32
      %dma_wait3A_123 = arith.constant 0 : i32
      %dma_wait3A_124 = tpu.memref_slice %arg4[%add3A_110, %dma_wait3A_122, %dma_wait3A_123] : memref<16384x50x32xf32, #tpu.memory_space<hbm>> -> memref<1x50x32xf32, #tpu.memory_space<hbm>>
      %dma_wait3A_125 = tpu.memref_squeeze %dma_wait3A_124 : memref<1x50x32xf32, #tpu.memory_space<hbm>> -> memref<50x32xf32, #tpu.memory_space<hbm>>
      %dma_wait3A_126 = arith.constant 0 : i32
      %dma_wait3A_127 = arith.constant 0 : i32
      %dma_wait3A_128 = tpu.memref_slice %arg7[%dma_wait3A_111, %dma_wait3A_126, %dma_wait3A_127] : memref<2x1600x32xf32, #tpu.memory_space<vmem>> -> memref<1x1600x32xf32, #tpu.memory_space<vmem>>
      %dma_wait3A_129 = tpu.memref_squeeze %dma_wait3A_128 : memref<1x1600x32xf32, #tpu.memory_space<vmem>> -> memref<1600x32xf32, #tpu.memory_space<vmem>>
      %dma_wait3A_130 = arith.constant 0 : i32
      %dma_wait3A_131 = tpu.memref_slice %dma_wait3A_129[%mul3A_109, %dma_wait3A_130] : memref<1600x32xf32, #tpu.memory_space<vmem>> -> memref<50x32xf32, #tpu.memory_space<vmem>>
      tpu.wait_dma2 semaphore(%arg9 : memref<!tpu.dma_semaphore, #tpu.memory_space<semaphore_mem>>) src(%dma_wait3A_131 : memref<50x32xf32, #tpu.memory_space<vmem>>) dst(%dma_wait3A_125 : memref<50x32xf32, #tpu.memory_space<hbm>>)
    }
    %scan3A_102 = arith.constant 32 : i32
    return
  }
}

</mosaic_0001>

<sc_bundles>
// kernel: kernel.3.cloned.1.call-start
scs
__scs_entry_jumppad:
0x0: {  	(pc) =	sbr.rel $0x88, $3  }
0x1: {  	(tag) =	ssettag $0x0;
	lr =	simm.s32 $0x1  }
0x2: {  	[smem:$0x3F9F] =	sst lr;
	_ =	strace $0xD0000000  }
0x3: {  	_ = 	snop  }
0x4: {  	_ = 	snop  }
0x5: {  	_ = 	snop  }
0x6: {  	_ = 	snop  }
0x7: {  	_ = 	snop  }
__scs_overlays_trampoline_lowered:
0x8: {  	[smem:$0x3FAE] =	sst s0  }
0x9: {  	[smem:$0x3FAF] =	sst s1  }
0xa: {  	[smem:$0x3FB0] =	sst s2  }
0xb: {  	[smem:$0x3FB1] =	sst s3  }
0xc: {  	[smem:$0x3FB2] =	sst s4  }
0xd: {  	[smem:$0x3FB3] =	sst s5  }
0xe: {  	[smem:$0x3FB4] =	sst s6  }
0xf: {  	[smem:$0x3FB5] =	sst s7  }
0x10: {  	[smem:$0x3FB6] =	sst s8  }
0x11: {  	[smem:$0x3FB7] =	sst s9;
	s0 =	simm.s32 @!p0 $0x0  }
0x12: {  	s1 =	sld [smem:$0x3F9D];
	s0 =	simm.s32 @p0 $0x1  }
0x13: {  	[smem:$0x3FB8] =	sst s0;
	s0 =	simm.s32 @!p1 $0x0  }
0x14: {  	s2 =	sld [smem:$0x3F9C];
	s0 =	simm.s32 @p1 $0x1  }
0x15: {  	[smem:$0x3FB9] =	sst s0;
	s0 =	simm.s32 @!p2 $0x0  }
0x16: {  	s3 =	sld [smem:$0x3FDB];
	s0 =	simm.s32 @p2 $0x1  }
0x17: {  	s4 =	simm.s32 $0x1BF5;
	[smem:$0x3FBB] =	sst s0  }
0x18: {  	s0 =	sld [smem:$0x3F9E];
	_ =	swait.ge [sflag:s4], $0x0  }
0x19: {  	s7 =	sld [smem:$0x3F9F]  }
0x1a: {  	s8 =	sadd.s32 $0xFFFFE003, lr  }
0x1b: {  	s9 =	sadd.s32 $0xFFFFFEF7, lr;
	s5 =	simm.s32 $0xFFFFFFFF;
	p2 =	slt.u32 s8, $0xFFFFF086  }
0x1c: {  	p1 =	slt.u32 s9, $0xF7A;
	s5 =	simm.s32 @!p2 $0x0  }
0x1d: {  	s5 =	simm.s32 @p1 $0x1;
	p0 =	seq.s32 s7, s2  }
0x1e: {  	s7 =	smul.u32 @!p0 $0xF7A, s2;
	p2 =	seq.s32 @!p0 s5, $0x0  }
0x1f: {  	s9 =	smul.u32 $0xF7A, s1;
	s8 =	simm.s32 @!p0 $0x1BF5;
	p2 =	por !p2, p0  }
0x20: {  	[sflag:s8] =	ssyncset.s32 @!p0 $0xFFFFF086;
	s6 =	sadd.s32 @!p0 s3, s7;
	s7 =	simm.s32 @!p0 $0x108  }
0x21: {  	s3 =	sadd.s32 s3, s9;
	s6 =	sadd.s32 @!p0 $0x88, s6;
	s7 =	simm.s32 @p2 $0x1082  }
0x22: {  	[simem:s7], [sflag:s8] =	dma.local @!p0 [hbm:s6], $0xF7A  }
0x23: {  	s9 =	sor.u32 $0xD0000000, s2;
	s6 =	simm.s32 $0x108;
	_ =	swait.ge @!p0 [sflag:s8], $0x0  }
0x24: {  	s3 =	sadd.s32 $0x88, s3;
	s6 =	simm.s32 @!p1 $0x1082;
	[sflag:s4] =	ssyncset.s32 $0xFFFFF086  }
0x25: {  	[simem:s6], [sflag:s4] =	dma.local [hbm:s3], $0xF7A  }
0x26: {  	[smem:$0x3F9F] =	sst s1;
	(tag) =	ssettag s2;
	_ =	strace s9  }
0x27: {  	s1 =	sld [smem:$0x3FAF]  }
0x28: {  	s2 =	sld [smem:$0x3FB0]  }
0x29: {  	s4 =	sld [smem:$0x3FB2]  }
0x2a: {  	p0 =	seq.s32 s5, $0x0;
	s5 =	sld [smem:$0x3FB3]  }
0x2b: {  	s6 =	sld [smem:$0x3FB4]  }
0x2c: {  	s7 =	sld [smem:$0x3FB5]  }
0x2d: {  	s3 =	simm.s32 $0x108;
	s8 =	sld [smem:$0x3FB6]  }
0x2e: {  	s3 =	simm.s32 @!p0 $0x1082;
	s9 =	sld [smem:$0x3FB7]  }
0x2f: {  	lr =	sadd.s32 s0, s3;
	s0 =	sld [smem:$0x3FAE]  }
0x30: {  	s3 =	sld [smem:$0x3FB1]  }
0x31: {  	[smem:$0x3FBA] =	sst s10  }
0x32: {  	s10 =	sld [smem:$0x3FB8];
	_ =	sdelay $0x3  }
0x33: {  	p0 =	seq.s32 s10, $0x1;
	s10 =	sld [smem:$0x3FBA];
	_ =	sdelay $0x3  }
0x34: {  	[smem:$0x3FBA] =	sst s10  }
0x35: {  	s10 =	sld [smem:$0x3FB9];
	_ =	sdelay $0x3  }
0x36: {  	p1 =	seq.s32 s10, $0x1;
	s10 =	sld [smem:$0x3FBA];
	_ =	sdelay $0x3  }
0x37: {  	[smem:$0x3FBA] =	sst s10  }
0x38: {  	s10 =	sld [smem:$0x3FBB]  }
0x39: {  	_ = 	snop;
	(pc) =	sbr.ind lr, $3  }
0x3a: {  	_ = 	snop  }
0x3b: {  	_ = 	snop  }
0x3c: {  	p2 =	seq.s32 s10, $0x1;
	s10 =	sld [smem:$0x3FBA]  }
0x3d: {  	_ =	shalt  }
0x3e: {  	_ =	shalt  }
0x3f: {  	_ =	shalt  }
0x40: {  	_ =	shalt  }
0x41: {  	_ =	shalt  }
0x42: {  	_ =	shalt  }
0x43: {  	_ =	shalt  }
0x44: {  	_ =	shalt  }
0x45: {  	_ =	shalt  }
0x46: {  	_ =	shalt  }
0x47: {  	_ =	shalt  }
0x48: {  	_ =	shalt  }
0x49: {  	_ =	shalt  }
0x4a: {  	_ =	shalt  }
0x4b: {  	_ =	shalt  }
0x4c: {  	_ =	shalt  }
0x4d: {  	_ =	shalt  }
0x4e: {  	_ =	shalt  }
0x4f: {  	_ =	shalt  }
0x50: {  	_ =	shalt  }
0x51: {  	_ =	shalt  }
0x52: {  	_ =	shalt  }
0x53: {  	_ =	shalt  }
0x54: {  	_ =	shalt  }
0x55: {  	_ =	shalt  }
0x56: {  	_ =	shalt  }
0x57: {  	_ =	shalt  }
0x58: {  	_ =	shalt  }
0x59: {  	_ =	shalt  }
0x5a: {  	_ =	shalt  }
0x5b: {  	_ =	shalt  }
0x5c: {  	_ =	shalt  }
0x5d: {  	_ =	shalt  }
0x5e: {  	_ =	shalt  }
0x5f: {  	_ =	shalt  }
0x60: {  	_ =	shalt  }
0x61: {  	_ =	shalt  }
0x62: {  	_ =	shalt  }
0x63: {  	_ =	shalt  }
0x64: {  	_ =	shalt  }
0x65: {  	_ =	shalt  }
0x66: {  	_ =	shalt  }
0x67: {  	_ =	shalt  }
0x68: {  	_ =	shalt  }
0x69: {  	_ =	shalt  }
0x6a: {  	_ =	shalt  }
0x6b: {  	_ =	shalt  }
0x6c: {  	_ =	shalt  }
0x6d: {  	_ =	shalt  }
0x6e: {  	_ =	shalt  }
0x6f: {  	_ =	shalt  }
0x70: {  	_ =	shalt  }
0x71: {  	_ =	shalt  }
0x72: {  	_ =	shalt  }
0x73: {  	_ =	shalt  }
0x74: {  	_ =	shalt  }
0x75: {  	_ =	shalt  }
0x76: {  	_ =	shalt  }
0x77: {  	_ =	shalt  }
0x78: {  	_ =	shalt  }
0x79: {  	_ =	shalt  }
0x7a: {  	_ =	shalt  }
0x7b: {  	_ =	shalt  }
0x7c: {  	_ =	shalt  }
0x7d: {  	_ =	shalt  }
0x7e: {  	_ =	shalt  }
0x7f: {  	_ =	shalt  }
0x80: {  	_ =	shalt  }
0x81: {  	_ =	shalt  }
0x82: {  	_ =	shalt  }
0x83: {  	_ =	shalt  }
0x84: {  	_ =	shalt  }
0x85: {  	_ =	shalt  }
0x86: {  	_ =	shalt  }
0x87: {  	_ =	shalt  }
.Lfunc_end0:
.L_simem_size_0:
called_computation.1_lowered:
.L_overlay_start_0:
0x88: {  	s2 =	sld [smem:$0x3FD9]  }
0x89: {  	s3 =	sld [smem:$0x3FFE];
	_ =	sdelay $0x1  }
0x8a: {  	s1 =	srdreg.scid  }
0x8b: {  	s0 =	sand.u32 $0x1, s1  }
0x8c: {  	s17 =	sshll.u32 s0, $0xA;
	s2 =	sadd.s32 s3, s2  }
0x8d: {  	s2 =	sadd.s32 s2, s17  }
0x8e: {  	[smem:$0x3FC6] =	sst s2  }
0x8f: {  	_ = 	snop  }
0x90: {  	s2 =	sld [smem:$0x3FD0];
	(tm) =	ssettm $0x1  }
0x91: {  	s18 =	sld [smem:$0x3FFB];
	_ =	sdelay $0x3  }
0x92: {  	_ =	strace s18  }
0x93: {  	s3 =	sld [smem:$0x3FFC];
	_ =	sdelay $0x3  }
0x94: {  	_ =	strace s3  }
0x95: {  	s3 =	sld [smem:$0x3FFD];
	_ =	sdelay $0x3  }
0x96: {  	_ =	strace s3  }
0x97: {  	_ =	strace $0x8FFFFFFF  }
0x98: {  	s19 =	sld [smem:$0x3FDB];
	_ =	sdelay $0x1  }
0x99: {  	s4 =	simm.s32 $_scs_section_size  }
0x9a: {  	s5 =	simm.s32 $_size__tile_overlayer_lowered;
	s6 =	simm.s32 $_tile_overlayer_lowered  }
0x9b: {  	s22 =	simm.s32 $0x1BFF;
	s21 =	sshll.u32 s6, $0x1;
	s3 =	sadd.s32 s4, s19  }
0x9c: {  	s7 =	simm.s32 $0x0;
	s20 =	sshll.u32 s5, $0x1;
	s5 =	sadd.s32 s21, s3  }
0x9d: {  	[timem:s7], [sflag:s22] =	dma.local [hbm:s5], s20  }
0x9e: {  	_ =	swait.ge [sflag:s22], s20  }
0x9f: {  	s4 =	ssub.s32 $0x0, s20;
	[sflag:s22] =	ssyncset.done $0x0  }
0xa0: {  	[sflag:s22] =	ssyncadd.s32 s4;
	_ =	sdelay $0x1  }
0xa1: {  	s23 =	simm.s32 $0x1B8B  }
0xa2: {  	_ =	swait.ge [sflag:s23], $0x1  }
0xa3: {  	[sflag:s23] =	ssyncset.done $0x0  }
0xa4: {  	s25 =	simm.s32 $0x1B8E;
	s24 =	sld [smem:$0x3FFE];
	[sflag:s23] =	ssyncadd.s32 $0xFFFFFFFF  }
0xa5: {  	s26 =	simm.s32 $execute0_lowered;
	[smem:$0x3FD2] =	sst s25  }
0xa6: {  	s5 =	sshll.u32 s26, $0x1;
	_ =	strace $0x80000046;
	[dreg:$0x1] =	wrdreg $0xFFFFFFFF  }
0xa7: {  	s28 =	simm.s32 $_size_execute0_lowered;
	s3 =	sadd.s32 s3, s5;
	[dreg:$0x0] =	wrdreg $0x0  }
0xa8: {  	s5 =	sshll.u32 s28, $0x1;
	[dreg:$0x2] =	wrdreg s3  }
0xa9: {  	[dreg:$0x3] =	wrdreg s5  }
0xaa: {  	[dreg:$0x4] =	wrdreg $0xC0  }
0xab: {  	_ =	task [dreg:s7], $0x5FFFF  }
0xac: {  	[dreg:$0x1] =	wrdreg $0xFFFFFFFF  }
0xad: {  	[dreg:$0x0] =	wrdreg $0x60  }
0xae: {  	[dreg:$0x2] =	wrdreg s24  }
0xaf: {  	[dreg:$0x3] =	wrdreg s2  }
0xb0: {  	[dreg:$0x4] =	wrdreg $0x9  }
0xb1: {  	_ =	task.clear_ibuf [dreg:s7], $0x5FFFF;
	_ =	strace $0x90000046  }
0xb2: {  	s29 =	simm.s32 $0x9;
	_ =	strace $0x80000048  }
0xb3: {  	_ =	swait.ge [sflag:s29], $0x1  }
0xb4: {  	[sflag:s29] =	ssyncadd.s32 $0xFFFFFFFF  }
0xb5: {  	_ =	strace $0x90000048  }
0xb6: {  	_ =	sfence  }
0xb7: {  	s30 =	sld [smem:$0x0];
	_ =	sdelay $0x2  }
0xb8: {  	s31 =	sshll.u32 s1, $0xD;
	s1 =	sshrl.u32 s1, $0x2  }
0xb9: {  	s3 =	sand.u32 $0x4000, s31;
	s1 =	sadd.s32 s1, s30  }
0xba: {  	s0 =	sor.u32 s3, s0;
	s1 =	sshll.u32 s1, $0x11  }
0xbb: {  	s0 =	sor.u32 s1, s0  }
0xbc: {  	s0 =	sadd.s32 $0x8F2B, s0  }
0xbd: {  	[sflag:s0] =	ssyncadd.remote.s32 $0x1  }
0xbe: {  	_ =	sfence.sel $0xFFFF  }
0xbf: {  	[dreg:$0x0] =	wrdreg $0xFFFFFFFF;
	(pc) =	sbr.abs _section_cstart, $3  }
0xc0: {  	[dreg:$0x1] =	wrdreg $0xFFFFFFFF  }
0xc1: {  	_ =	task.clear_ibuf [dreg:s7], $0x2FFFF;
	_ =	strace $0x9FFFFFFF  }
0xc2: {  	(tm) =	ssettm $0x7FFFFFFF  }
0xc3: {  	_ =	shalt  }
tec
execute0_lowered:
.L_overlay_start_1:
0x0: {  	(tag) =	ssettag $0x1  }
0x1: {  	s4 =	rddreg [dreg:$0x0]  }
0x2: {  	s13 =	rddreg [dreg:$0x1]  }
0x3: {  	s0 =	rddreg [dreg:$0x2];
	s3 =	srdreg.scid  }
0x4: {  	s1 =	stileid.u32;
	s2 =	simm.s32 $0x0;
	s15 =	simm.s32 $0x640  }
0x5: {  	s16 =	simm.s32 $0xC80;
	s17 =	simm.s32 $0x1900;
	s18 =	simm.s32 $0x12C0  }
0x6: {  	s19 =	simm.s32 $0xE100;
	s20 =	simm.s32 $0x1;
	s21 =	simm.s32 $0x2  }
0x7: {  	s22 =	simm.s32 $0x0;
	s10 =	sand.u32 $0x1, s3;
	s11 =	smul.u32 $0x190000, s1  }
0x8: {  	s24 =	sshll.u32 s1, $0x1;
	[smem:$0x7FF] =	sst s2;
	s14 =	smul.u32 $0x32000, s1  }
0x9: {  	s3 =	sadd.s32 $0xA00, s4;
	s4 =	sadd.s32 $0xF42E00, s4;
	s12 =	smul.u32 $0xC8000, s10  }
0xa: {  	s5 =	sor.u32 s10, s24;
	s6 =	ssub.s32 $0x2, s10;
	s10 =	smul.u32 $0x19000, s10  }
0xb: {  	_ =	strace $0x80000047;
	s7 =	smul.u32 $0x6400, s5;
	s8 =	sshrl.u32 s6, $0x1  }
0xc: {  	s25 =	smul.u32 $0xC80, s5;
	s26 =	sshll.u32 s5, $0x4;
	s28 =	sadd.s32 s14, s13  }
0xd: {  	s14 =	simm.s32 $0x3;
	s9 =	ssub.s32 s6, s8;
	s8 =	sor.u32 $0x3, s26  }
0xe: {  	s11 =	sadd.s32 s12, s11;
	s10 =	sadd.s32 s10, s28;
	s7 =	sshrl.u32 s7, $0x3  }
0xf: {  	s5 =	sadd.s32 s3, s25;
	s9 =	smax.u32 s9, $0x1;
	s29 =	sadd.s32 $0xAF000, s11  }
0x10: {  	s11 =	sadd.s32 $0xBB800, s11;
	s7 =	sadd.s32 s3, s7;
	s30 =	sshrl.u32 s29, $0x3  }
0x11: {  	s31 =	sshrl.u32 s11, $0x3;
	s11 =	sadd.s32 $0x1900, s10;
	s6 =	sadd.s32 $0xC8, s7  }
0x12: {  	v0 =	vlaneseq.u32;
	s7 =	sor.u32 $0x2, s26;
	s12 =	sadd.s32 s30, s13;
	s13 =	sadd.s32 s31, s13  }
.LBB2_1:
0x13: {  	v1 =	vor.u32 s2, v0  }
0x14: {  	[tilespmem:s2], [sflag:$0x3] =	stream.linear.gather [hbm4b:s5+s2], $0x640, $0x38;
	[tilespmem:$0x1A900] =	vst v63  }
0x15: {  	_ =	swait.ge [sflag:s14], $0x640  }
0x16: {  	[sflag:s14] =	ssyncset.done $0x0  }
0x17: {  	[sflag:s14] =	ssyncadd.s32 $0xFFFFF9C0  }
0x18: {  	s23 =	simm.s32 $0x10;
	v1 =	vld.idx.msk [tilespmem:v1+s2+$0x0], $0xffff  }
0x19: {  	v2 =	vor.u32 s23, v0;
	_ =	sdelay $0x3  }
0x1a: {  	[tilespmem:s16+$0x0] =	vst v1  }
0x1b: {  	s31 =	simm.s32 $0x20;
	v1 =	vld.idx.msk [tilespmem:v2+s2+$0x0], $0xffff  }
0x1c: {  	s24 =	simm.s32 $0x30;
	s23 =	simm.s32 $0xC80;
	v2 =	vor.u32 s31, v0  }
.LBB2_2:
0x1d: {  	p0 =	sne.s32 s24, $0x630;
	_ =	sdelay $0x1  }
.Ltmp0:
0x1e: {  	s23 =	sadd.s32 $0x10, s23;
	(pc) =	sbr.rel @p0 .LBB2_2-.Ltmp0, $3  }
0x1f: {  	[tilespmem:s23+$0x0] =	vst v1  }
0x20: {  	v1 =	vld.idx.msk [tilespmem:v2+s2+$0x0], $0xffff;
	_ =	sdelay $0x1  }
0x21: {  	v2 =	vor.u32 s24, v0;
	s24 =	sadd.s32 $0x10, s24  }
0x22: {  	_ =	sdelay $0x1  }
0x23: {  	s23 =	sadd.s32 $0x10, s23  }
0x24: {  	[tilespmem:s23+$0x0] =	vst v1  }
0x25: {  	v1 =	vld.idx.msk [tilespmem:v2+s2+$0x0], $0xffff;
	_ =	sdelay $0x3  }
0x26: {  	s23 =	sadd.s32 $0x10, s23  }
0x27: {  	s30 =	simm.s32 $0x0;
	[tilespmem:s23+$0x0] =	vst v1  }
0x28: {  	[tilespmem:s17], [sflag:$0x1] =	stream.indirect.gather [hbm4b:s4+s15], $0x20, s16, s15, $0xb8;
	[tilespmem:$0x1A900] =	vst v63  }
0x29: {  	v1 =	vor.u32 s30, v0  }
0x2a: {  	[tilespmem:s15], [sflag:$0x3] =	stream.linear.gather [hbm4b:s6+s30], $0x640, $0x38;
	[tilespmem:$0x1A900] =	vst v63  }
0x2b: {  	_ =	swait.ge [sflag:s14], $0x640  }
0x2c: {  	[sflag:s14] =	ssyncset.done $0x0  }
0x2d: {  	[sflag:s14] =	ssyncadd.s32 $0xFFFFF9C0  }
0x2e: {  	s31 =	simm.s32 $0x10;
	v1 =	vld.idx.msk [tilespmem:v1+s15+$0x0], $0xffff  }
0x2f: {  	v2 =	vor.u32 s31, v0;
	_ =	sdelay $0x2  }
0x30: {  	s23 =	simm.s32 $0x12C0  }
0x31: {  	[tilespmem:s23+$0x0] =	vst v1  }
0x32: {  	s24 =	simm.s32 $0x20;
	v1 =	vld.idx.msk [tilespmem:v2+s15+$0x0], $0xffff  }
0x33: {  	v2 =	vor.u32 s24, v0;
	s24 =	simm.s32 $0x30  }
.LBB2_4:
0x34: {  	p0 =	sne.s32 s24, $0x630;
	_ =	sdelay $0x1  }
.Ltmp1:
0x35: {  	s23 =	sadd.s32 $0x10, s23;
	(pc) =	sbr.rel @p0 .LBB2_4-.Ltmp1, $3  }
0x36: {  	[tilespmem:s23+$0x0] =	vst v1  }
0x37: {  	v1 =	vld.idx.msk [tilespmem:v2+s15+$0x0], $0xffff;
	_ =	sdelay $0x1  }
0x38: {  	v2 =	vor.u32 s24, v0;
	s24 =	sadd.s32 $0x10, s24  }
0x39: {  	_ =	sdelay $0x1  }
0x3a: {  	s23 =	sadd.s32 $0x10, s23  }
0x3b: {  	[tilespmem:s23+$0x0] =	vst v1  }
0x3c: {  	v1 =	vld.idx.msk [tilespmem:v2+s15+$0x0], $0xffff;
	_ =	sdelay $0x3  }
0x3d: {  	s23 =	sadd.s32 $0x10, s23  }
0x3e: {  	s24 =	smov.u32 s11;
	s25 =	smov.u32 s10;
	[tilespmem:s23+$0x0] =	vst v1;
	s23 =	simm.s32 $0x0  }
0x3f: {  	[tilespmem:s19], [sflag:$0x1] =	stream.indirect.gather [hbm4b:s4+s15], $0x20, s18, s15, $0xb8;
	[tilespmem:$0x1A900] =	vst v63  }
.LBB2_6:
0x40: {  	_ =	swait.ge [sflag:s20], $0xC800  }
0x41: {  	s26 =	simm.s32 $0x1900;
	s28 =	simm.s32 $0xC8;
	[sflag:s20] =	ssyncset.done $0x0  }
0x42: {  	s30 =	sadd.s32 $0x0, s25;
	s29 =	simm.s32 $0x1F40;
	[sflag:s20] =	ssyncadd.s32 $0xFFFF3800  }
.LBB2_7:
0x43: {  	[hbm4b:s30+s2] =	stream.linear.scatter [tilespmem:s26], [sflag:$0x2], $0x640, $0x38;
	[tilespmem:$0x1A900] =	vst v63  }
0x44: {  	s30 =	smov.u32 s28;
	s26 =	smov.u32 s29;
	p0 =	sne.s32 s28, $0x1838  }
.Ltmp2:
0x45: {  	s28 =	sadd.s32 $0xC8, s28;
	(pc) =	sbr.rel @p0 .LBB2_7-.Ltmp2, $2  }
0x46: {  	_ =	sdelay $0x2  }
0x47: {  	s29 =	sadd.s32 $0x640, s29;
	s30 =	sadd.s32 s30, s25  }
0x48: {  	[hbm4b:s30+s2] =	stream.linear.scatter [tilespmem:s26], [sflag:$0x2], $0x640, $0x38;
	[tilespmem:$0x1A900] =	vst v63  }
0x49: {  	_ =	swait.ge [sflag:s21], $0x640  }
0x4a: {  	[sflag:s21] =	ssyncset.done $0x0  }
0x4b: {  	[sflag:s21] =	ssyncadd.s32 $0xFFFFF9C0  }
0x4c: {  	_ =	swait.ge [sflag:s21], $0x640  }
0x4d: {  	[sflag:s21] =	ssyncset.done $0x0  }
0x4e: {  	[sflag:s21] =	ssyncadd.s32 $0xFFFFF9C0  }
0x4f: {  	_ =	swait.ge [sflag:s21], $0x640  }
0x50: {  	[sflag:s21] =	ssyncset.done $0x0  }
0x51: {  	[sflag:s21] =	ssyncadd.s32 $0xFFFFF9C0  }
0x52: {  	_ =	swait.ge [sflag:s21], $0x640  }
0x53: {  	[sflag:s21] =	ssyncset.done $0x0  }
0x54: {  	[sflag:s21] =	ssyncadd.s32 $0xFFFFF9C0  }
0x55: {  	_ =	swait.ge [sflag:s21], $0x640  }
0x56: {  	[sflag:s21] =	ssyncset.done $0x0  }
0x57: {  	[sflag:s21] =	ssyncadd.s32 $0xFFFFF9C0  }
0x58: {  	_ =	swait.ge [sflag:s21], $0x640  }
0x59: {  	[sflag:s21] =	ssyncset.done $0x0  }
0x5a: {  	[sflag:s21] =	ssyncadd.s32 $0xFFFFF9C0  }
0x5b: {  	_ =	swait.ge [sflag:s21], $0x640  }
0x5c: {  	[sflag:s21] =	ssyncset.done $0x0  }
0x5d: {  	[sflag:s21] =	ssyncadd.s32 $0xFFFFF9C0  }
0x5e: {  	_ =	swait.ge [sflag:s21], $0x640  }
0x5f: {  	[sflag:s21] =	ssyncset.done $0x0  }
0x60: {  	[sflag:s21] =	ssyncadd.s32 $0xFFFFF9C0  }
0x61: {  	_ =	swait.ge [sflag:s21], $0x640  }
0x62: {  	[sflag:s21] =	ssyncset.done $0x0  }
0x63: {  	[sflag:s21] =	ssyncadd.s32 $0xFFFFF9C0  }
0x64: {  	_ =	swait.ge [sflag:s21], $0x640  }
0x65: {  	[sflag:s21] =	ssyncset.done $0x0  }
0x66: {  	[sflag:s21] =	ssyncadd.s32 $0xFFFFF9C0  }
0x67: {  	_ =	swait.ge [sflag:s21], $0x640  }
0x68: {  	[sflag:s21] =	ssyncset.done $0x0  }
0x69: {  	[sflag:s21] =	ssyncadd.s32 $0xFFFFF9C0  }
0x6a: {  	_ =	swait.ge [sflag:s21], $0x640  }
0x6b: {  	[sflag:s21] =	ssyncset.done $0x0  }
0x6c: {  	[sflag:s21] =	ssyncadd.s32 $0xFFFFF9C0  }
0x6d: {  	_ =	swait.ge [sflag:s21], $0x640  }
0x6e: {  	[sflag:s21] =	ssyncset.done $0x0  }
0x6f: {  	[sflag:s21] =	ssyncadd.s32 $0xFFFFF9C0  }
0x70: {  	_ =	swait.ge [sflag:s21], $0x640  }
0x71: {  	[sflag:s21] =	ssyncset.done $0x0  }
0x72: {  	[sflag:s21] =	ssyncadd.s32 $0xFFFFF9C0  }
0x73: {  	_ =	swait.ge [sflag:s21], $0x640  }
0x74: {  	[sflag:s21] =	ssyncset.done $0x0  }
0x75: {  	[sflag:s21] =	ssyncadd.s32 $0xFFFFF9C0  }
0x76: {  	_ =	swait.ge [sflag:s21], $0x640  }
0x77: {  	[sflag:s21] =	ssyncset.done $0x0  }
0x78: {  	[sflag:s21] =	ssyncadd.s32 $0xFFFFF9C0  }
0x79: {  	_ =	swait.ge [sflag:s21], $0x640  }
0x7a: {  	[sflag:s21] =	ssyncset.done $0x0  }
0x7b: {  	[sflag:s21] =	ssyncadd.s32 $0xFFFFF9C0  }
0x7c: {  	_ =	swait.ge [sflag:s21], $0x640  }
0x7d: {  	[sflag:s21] =	ssyncset.done $0x0  }
0x7e: {  	[sflag:s21] =	ssyncadd.s32 $0xFFFFF9C0  }
0x7f: {  	_ =	swait.ge [sflag:s21], $0x640  }
0x80: {  	[sflag:s21] =	ssyncset.done $0x0  }
0x81: {  	[sflag:s21] =	ssyncadd.s32 $0xFFFFF9C0  }
0x82: {  	_ =	swait.ge [sflag:s21], $0x640  }
0x83: {  	[sflag:s21] =	ssyncset.done $0x0  }
0x84: {  	[sflag:s21] =	ssyncadd.s32 $0xFFFFF9C0  }
0x85: {  	_ =	swait.ge [sflag:s21], $0x640  }
0x86: {  	[sflag:s21] =	ssyncset.done $0x0  }
0x87: {  	[sflag:s21] =	ssyncadd.s32 $0xFFFFF9C0  }
0x88: {  	_ =	swait.ge [sflag:s21], $0x640  }
0x89: {  	[sflag:s21] =	ssyncset.done $0x0  }
0x8a: {  	[sflag:s21] =	ssyncadd.s32 $0xFFFFF9C0  }
0x8b: {  	_ =	swait.ge [sflag:s21], $0x640  }
0x8c: {  	[sflag:s21] =	ssyncset.done $0x0  }
0x8d: {  	[sflag:s21] =	ssyncadd.s32 $0xFFFFF9C0  }
0x8e: {  	_ =	swait.ge [sflag:s21], $0x640  }
0x8f: {  	[sflag:s21] =	ssyncset.done $0x0  }
0x90: {  	[sflag:s21] =	ssyncadd.s32 $0xFFFFF9C0  }
0x91: {  	_ =	swait.ge [sflag:s21], $0x640  }
0x92: {  	[sflag:s21] =	ssyncset.done $0x0  }
0x93: {  	[sflag:s21] =	ssyncadd.s32 $0xFFFFF9C0  }
0x94: {  	_ =	swait.ge [sflag:s21], $0x640  }
0x95: {  	[sflag:s21] =	ssyncset.done $0x0  }
0x96: {  	[sflag:s21] =	ssyncadd.s32 $0xFFFFF9C0  }
0x97: {  	_ =	swait.ge [sflag:s21], $0x640  }
0x98: {  	[sflag:s21] =	ssyncset.done $0x0  }
0x99: {  	[sflag:s21] =	ssyncadd.s32 $0xFFFFF9C0  }
0x9a: {  	_ =	swait.ge [sflag:s21], $0x640  }
0x9b: {  	[sflag:s21] =	ssyncset.done $0x0  }
0x9c: {  	[sflag:s21] =	ssyncadd.s32 $0xFFFFF9C0  }
0x9d: {  	_ =	swait.ge [sflag:s21], $0x640  }
0x9e: {  	[sflag:s21] =	ssyncset.done $0x0  }
0x9f: {  	[sflag:s21] =	ssyncadd.s32 $0xFFFFF9C0  }
0xa0: {  	_ =	swait.ge [sflag:s21], $0x640  }
0xa1: {  	[sflag:s21] =	ssyncset.done $0x0  }
0xa2: {  	[sflag:s21] =	ssyncadd.s32 $0xFFFFF9C0  }
0xa3: {  	_ =	swait.ge [sflag:s21], $0x640  }
0xa4: {  	s26 =	sshll.u32 s23, $0x1;
	[sflag:s21] =	ssyncset.done $0x0  }
0xa5: {  	s28 =	sadd.s32 s26, s7;
	[sflag:s21] =	ssyncadd.s32 $0xFFFFF9C0  }
0xa6: {  	s28 =	smul.u32 $0xC8, s28;
	_ =	swait.ge [sflag:s21], $0x640  }
0xa7: {  	s29 =	simm.s32 $0x0;
	[sflag:s21] =	ssyncset.done $0x0  }
0xa8: {  	v1 =	vor.u32 s29, v0;
	s28 =	sadd.s32 s3, s28;
	[sflag:s21] =	ssyncadd.s32 $0xFFFFF9C0  }
0xa9: {  	[tilespmem:s29], [sflag:$0x3] =	stream.linear.gather [hbm4b:s28+s29], $0x640, $0x38;
	[tilespmem:$0x1A900] =	vst v63  }
0xaa: {  	_ =	swait.ge [sflag:s14], $0x640  }
0xab: {  	[sflag:s14] =	ssyncset.done $0x0  }
0xac: {  	[sflag:s14] =	ssyncadd.s32 $0xFFFFF9C0  }
0xad: {  	s28 =	simm.s32 $0x10;
	v1 =	vld.idx.msk [tilespmem:v1+s2+$0x0], $0xffff  }
0xae: {  	v2 =	vor.u32 s28, v0;
	_ =	sdelay $0x2  }
0xaf: {  	s28 =	simm.s32 $0xC80  }
0xb0: {  	[tilespmem:s28+$0x0] =	vst v1  }
0xb1: {  	s29 =	simm.s32 $0x20;
	v1 =	vld.idx.msk [tilespmem:v2+s2+$0x0], $0xffff  }
0xb2: {  	v2 =	vor.u32 s29, v0;
	s29 =	simm.s32 $0x30  }
.LBB2_9:
0xb3: {  	p0 =	sne.s32 s29, $0x630;
	_ =	sdelay $0x1  }
.Ltmp3:
0xb4: {  	s28 =	sadd.s32 $0x10, s28;
	(pc) =	sbr.rel @p0 .LBB2_9-.Ltmp3, $3  }
0xb5: {  	[tilespmem:s28+$0x0] =	vst v1  }
0xb6: {  	v1 =	vld.idx.msk [tilespmem:v2+s2+$0x0], $0xffff;
	_ =	sdelay $0x1  }
0xb7: {  	v2 =	vor.u32 s29, v0;
	s29 =	sadd.s32 $0x10, s29  }
0xb8: {  	_ =	sdelay $0x1  }
0xb9: {  	s28 =	sadd.s32 $0x10, s28  }
0xba: {  	[tilespmem:s28+$0x0] =	vst v1  }
0xbb: {  	v1 =	vld.idx.msk [tilespmem:v2+s2+$0x0], $0xffff;
	_ =	sdelay $0x3  }
0xbc: {  	s28 =	sadd.s32 $0x10, s28  }
0xbd: {  	[tilespmem:s28+$0x0] =	vst v1  }
0xbe: {  	[tilespmem:s17], [sflag:$0x1] =	stream.indirect.gather [hbm4b:s4+s15], $0x20, s16, s15, $0xb8;
	[tilespmem:$0x1A900] =	vst v63  }
0xbf: {  	_ =	swait.ge [sflag:s20], $0xC800  }
0xc0: {  	s29 =	simm.s32 $0xC8;
	s31 =	sadd.s32 $0x0, s24;
	[sflag:s20] =	ssyncset.done $0x0  }
0xc1: {  	s30 =	simm.s32 $0xE740;
	s28 =	simm.s32 $0xE100;
	[sflag:s20] =	ssyncadd.s32 $0xFFFF3800  }
.LBB2_11:
0xc2: {  	[hbm4b:s31+s2] =	stream.linear.scatter [tilespmem:s28], [sflag:$0x2], $0x640, $0x38;
	[tilespmem:$0x1A900] =	vst v63  }
0xc3: {  	s31 =	smov.u32 s29;
	s28 =	smov.u32 s30;
	p0 =	sne.s32 s29, $0x1838  }
.Ltmp4:
0xc4: {  	s29 =	sadd.s32 $0xC8, s29;
	(pc) =	sbr.rel @p0 .LBB2_11-.Ltmp4, $2  }
0xc5: {  	_ =	sdelay $0x2  }
0xc6: {  	s30 =	sadd.s32 $0x640, s30;
	s31 =	sadd.s32 s31, s24  }
0xc7: {  	[hbm4b:s31+s2] =	stream.linear.scatter [tilespmem:s28], [sflag:$0x2], $0x640, $0x38;
	[tilespmem:$0x1A900] =	vst v63  }
0xc8: {  	_ =	swait.ge [sflag:s21], $0x640  }
0xc9: {  	[sflag:s21] =	ssyncset.done $0x0  }
0xca: {  	[sflag:s21] =	ssyncadd.s32 $0xFFFFF9C0  }
0xcb: {  	_ =	swait.ge [sflag:s21], $0x640  }
0xcc: {  	[sflag:s21] =	ssyncset.done $0x0  }
0xcd: {  	[sflag:s21] =	ssyncadd.s32 $0xFFFFF9C0  }
0xce: {  	_ =	swait.ge [sflag:s21], $0x640  }
0xcf: {  	[sflag:s21] =	ssyncset.done $0x0  }
0xd0: {  	[sflag:s21] =	ssyncadd.s32 $0xFFFFF9C0  }
0xd1: {  	_ =	swait.ge [sflag:s21], $0x640  }
0xd2: {  	[sflag:s21] =	ssyncset.done $0x0  }
0xd3: {  	[sflag:s21] =	ssyncadd.s32 $0xFFFFF9C0  }
0xd4: {  	_ =	swait.ge [sflag:s21], $0x640  }
0xd5: {  	[sflag:s21] =	ssyncset.done $0x0  }
0xd6: {  	[sflag:s21] =	ssyncadd.s32 $0xFFFFF9C0  }
0xd7: {  	_ =	swait.ge [sflag:s21], $0x640  }
0xd8: {  	[sflag:s21] =	ssyncset.done $0x0  }
0xd9: {  	[sflag:s21] =	ssyncadd.s32 $0xFFFFF9C0  }
0xda: {  	_ =	swait.ge [sflag:s21], $0x640  }
0xdb: {  	[sflag:s21] =	ssyncset.done $0x0  }
0xdc: {  	[sflag:s21] =	ssyncadd.s32 $0xFFFFF9C0  }
0xdd: {  	_ =	swait.ge [sflag:s21], $0x640  }
0xde: {  	[sflag:s21] =	ssyncset.done $0x0  }
0xdf: {  	[sflag:s21] =	ssyncadd.s32 $0xFFFFF9C0  }
0xe0: {  	_ =	swait.ge [sflag:s21], $0x640  }
0xe1: {  	[sflag:s21] =	ssyncset.done $0x0  }
0xe2: {  	[sflag:s21] =	ssyncadd.s32 $0xFFFFF9C0  }
0xe3: {  	_ =	swait.ge [sflag:s21], $0x640  }
0xe4: {  	[sflag:s21] =	ssyncset.done $0x0  }
0xe5: {  	[sflag:s21] =	ssyncadd.s32 $0xFFFFF9C0  }
0xe6: {  	_ =	swait.ge [sflag:s21], $0x640  }
0xe7: {  	[sflag:s21] =	ssyncset.done $0x0  }
0xe8: {  	[sflag:s21] =	ssyncadd.s32 $0xFFFFF9C0  }
0xe9: {  	_ =	swait.ge [sflag:s21], $0x640  }
0xea: {  	[sflag:s21] =	ssyncset.done $0x0  }
0xeb: {  	[sflag:s21] =	ssyncadd.s32 $0xFFFFF9C0  }
0xec: {  	_ =	swait.ge [sflag:s21], $0x640  }
0xed: {  	[sflag:s21] =	ssyncset.done $0x0  }
0xee: {  	[sflag:s21] =	ssyncadd.s32 $0xFFFFF9C0  }
0xef: {  	_ =	swait.ge [sflag:s21], $0x640  }
0xf0: {  	[sflag:s21] =	ssyncset.done $0x0  }
0xf1: {  	[sflag:s21] =	ssyncadd.s32 $0xFFFFF9C0  }
0xf2: {  	_ =	swait.ge [sflag:s21], $0x640  }
0xf3: {  	[sflag:s21] =	ssyncset.done $0x0  }
0xf4: {  	[sflag:s21] =	ssyncadd.s32 $0xFFFFF9C0  }
0xf5: {  	_ =	swait.ge [sflag:s21], $0x640  }
0xf6: {  	[sflag:s21] =	ssyncset.done $0x0  }
0xf7: {  	[sflag:s21] =	ssyncadd.s32 $0xFFFFF9C0  }
0xf8: {  	_ =	swait.ge [sflag:s21], $0x640  }
0xf9: {  	[sflag:s21] =	ssyncset.done $0x0  }
0xfa: {  	[sflag:s21] =	ssyncadd.s32 $0xFFFFF9C0  }
0xfb: {  	_ =	swait.ge [sflag:s21], $0x640  }
0xfc: {  	[sflag:s21] =	ssyncset.done $0x0  }
0xfd: {  	[sflag:s21] =	ssyncadd.s32 $0xFFFFF9C0  }
0xfe: {  	_ =	swait.ge [sflag:s21], $0x640  }
0xff: {  	[sflag:s21] =	ssyncset.done $0x0  }
0x100: {  	[sflag:s21] =	ssyncadd.s32 $0xFFFFF9C0  }
0x101: {  	_ =	swait.ge [sflag:s21], $0x640  }
0x102: {  	[sflag:s21] =	ssyncset.done $0x0  }
0x103: {  	[sflag:s21] =	ssyncadd.s32 $0xFFFFF9C0  }
0x104: {  	_ =	swait.ge [sflag:s21], $0x640  }
0x105: {  	[sflag:s21] =	ssyncset.done $0x0  }
0x106: {  	[sflag:s21] =	ssyncadd.s32 $0xFFFFF9C0  }
0x107: {  	_ =	swait.ge [sflag:s21], $0x640  }
0x108: {  	[sflag:s21] =	ssyncset.done $0x0  }
0x109: {  	[sflag:s21] =	ssyncadd.s32 $0xFFFFF9C0  }
0x10a: {  	_ =	swait.ge [sflag:s21], $0x640  }
0x10b: {  	[sflag:s21] =	ssyncset.done $0x0  }
0x10c: {  	[sflag:s21] =	ssyncadd.s32 $0xFFFFF9C0  }
0x10d: {  	_ =	swait.ge [sflag:s21], $0x640  }
0x10e: {  	[sflag:s21] =	ssyncset.done $0x0  }
0x10f: {  	[sflag:s21] =	ssyncadd.s32 $0xFFFFF9C0  }
0x110: {  	_ =	swait.ge [sflag:s21], $0x640  }
0x111: {  	[sflag:s21] =	ssyncset.done $0x0  }
0x112: {  	[sflag:s21] =	ssyncadd.s32 $0xFFFFF9C0  }
0x113: {  	_ =	swait.ge [sflag:s21], $0x640  }
0x114: {  	[sflag:s21] =	ssyncset.done $0x0  }
0x115: {  	[sflag:s21] =	ssyncadd.s32 $0xFFFFF9C0  }
0x116: {  	_ =	swait.ge [sflag:s21], $0x640  }
0x117: {  	[sflag:s21] =	ssyncset.done $0x0  }
0x118: {  	[sflag:s21] =	ssyncadd.s32 $0xFFFFF9C0  }
0x119: {  	_ =	swait.ge [sflag:s21], $0x640  }
0x11a: {  	[sflag:s21] =	ssyncset.done $0x0  }
0x11b: {  	[sflag:s21] =	ssyncadd.s32 $0xFFFFF9C0  }
0x11c: {  	_ =	swait.ge [sflag:s21], $0x640  }
0x11d: {  	[sflag:s21] =	ssyncset.done $0x0  }
0x11e: {  	[sflag:s21] =	ssyncadd.s32 $0xFFFFF9C0  }
0x11f: {  	_ =	swait.ge [sflag:s21], $0x640  }
0x120: {  	[sflag:s21] =	ssyncset.done $0x0  }
0x121: {  	[sflag:s21] =	ssyncadd.s32 $0xFFFFF9C0  }
0x122: {  	_ =	swait.ge [sflag:s21], $0x640  }
0x123: {  	[sflag:s21] =	ssyncset.done $0x0  }
0x124: {  	s26 =	sadd.s32 s26, s8;
	[sflag:s21] =	ssyncadd.s32 $0xFFFFF9C0  }
0x125: {  	s26 =	smul.u32 $0xC8, s26;
	_ =	swait.ge [sflag:s21], $0x640  }
0x126: {  	s28 =	simm.s32 $0x0;
	[sflag:s21] =	ssyncset.done $0x0  }
0x127: {  	v1 =	vor.u32 s28, v0;
	s26 =	sadd.s32 s3, s26;
	[sflag:s21] =	ssyncadd.s32 $0xFFFFF9C0  }
0x128: {  	[tilespmem:s15], [sflag:$0x3] =	stream.linear.gather [hbm4b:s26+s28], $0x640, $0x38;
	[tilespmem:$0x1A900] =	vst v63  }
0x129: {  	_ =	swait.ge [sflag:s14], $0x640  }
0x12a: {  	[sflag:s14] =	ssyncset.done $0x0  }
0x12b: {  	[sflag:s14] =	ssyncadd.s32 $0xFFFFF9C0  }
0x12c: {  	s31 =	simm.s32 $0x10;
	v1 =	vld.idx.msk [tilespmem:v1+s15+$0x0], $0xffff  }
0x12d: {  	v2 =	vor.u32 s31, v0;
	_ =	sdelay $0x2  }
0x12e: {  	s26 =	simm.s32 $0x12C0  }
0x12f: {  	[tilespmem:s26+$0x0] =	vst v1  }
0x130: {  	s28 =	simm.s32 $0x20;
	v1 =	vld.idx.msk [tilespmem:v2+s15+$0x0], $0xffff  }
0x131: {  	v2 =	vor.u32 s28, v0;
	s28 =	simm.s32 $0x30  }
.LBB2_13:
0x132: {  	p0 =	sne.s32 s28, $0x630;
	_ =	sdelay $0x1  }
.Ltmp5:
0x133: {  	s26 =	sadd.s32 $0x10, s26;
	(pc) =	sbr.rel @p0 .LBB2_13-.Ltmp5, $3  }
0x134: {  	[tilespmem:s26+$0x0] =	vst v1  }
0x135: {  	v1 =	vld.idx.msk [tilespmem:v2+s15+$0x0], $0xffff;
	_ =	sdelay $0x1  }
0x136: {  	v2 =	vor.u32 s28, v0;
	s28 =	sadd.s32 $0x10, s28  }
0x137: {  	_ =	sdelay $0x1  }
0x138: {  	s26 =	sadd.s32 $0x10, s26  }
0x139: {  	[tilespmem:s26+$0x0] =	vst v1  }
0x13a: {  	s23 =	sadd.s32 $0x1, s23;
	v1 =	vld.idx.msk [tilespmem:v2+s15+$0x0], $0xffff  }
0x13b: {  	p0 =	sne.s32 s23, $0x7  }
.Ltmp6:
0x13c: {  	_ = 	snop;
	(pc) =	sbr.rel @p0 .LBB2_6-.Ltmp6, $4  }
0x13d: {  	_ = 	snop  }
0x13e: {  	s26 =	sadd.s32 $0x10, s26  }
0x13f: {  	s25 =	sadd.s32 $0x3200, s25;
	s24 =	sadd.s32 $0x3200, s24;
	[tilespmem:s26+$0x0] =	vst v1  }
0x140: {  	[tilespmem:s19], [sflag:$0x1] =	stream.indirect.gather [hbm4b:s4+s15], $0x20, s18, s15, $0xb8;
	[tilespmem:$0x1A900] =	vst v63  }
0x141: {  	_ =	swait.ge [sflag:s20], $0xC800  }
0x142: {  	s23 =	simm.s32 $0x1900;
	s24 =	simm.s32 $0xC8;
	[sflag:s20] =	ssyncset.done $0x0  }
0x143: {  	s26 =	sadd.s32 $0x0, s12;
	s25 =	simm.s32 $0x1F40;
	[sflag:s20] =	ssyncadd.s32 $0xFFFF3800  }
.LBB2_16:
0x144: {  	[hbm4b:s26+s2] =	stream.linear.scatter [tilespmem:s23], [sflag:$0x2], $0x640, $0x38;
	[tilespmem:$0x1A900] =	vst v63  }
0x145: {  	s26 =	smov.u32 s24;
	s23 =	smov.u32 s25;
	p0 =	sne.s32 s24, $0x1838  }
.Ltmp7:
0x146: {  	s24 =	sadd.s32 $0xC8, s24;
	(pc) =	sbr.rel @p0 .LBB2_16-.Ltmp7, $2  }
0x147: {  	_ =	sdelay $0x2  }
0x148: {  	s25 =	sadd.s32 $0x640, s25;
	s26 =	sadd.s32 s26, s12  }
0x149: {  	[hbm4b:s26+s2] =	stream.linear.scatter [tilespmem:s23], [sflag:$0x2], $0x640, $0x38;
	[tilespmem:$0x1A900] =	vst v63  }
0x14a: {  	_ =	swait.ge [sflag:s20], $0xC800  }
0x14b: {  	s23 =	simm.s32 $0xE100;
	s24 =	simm.s32 $0xC8;
	[sflag:s20] =	ssyncset.done $0x0  }
0x14c: {  	s26 =	sadd.s32 $0x0, s13;
	s25 =	simm.s32 $0xE740;
	[sflag:s20] =	ssyncadd.s32 $0xFFFF3800  }
.LBB2_18:
0x14d: {  	[hbm4b:s26+s2] =	stream.linear.scatter [tilespmem:s23], [sflag:$0x2], $0x640, $0x38;
	[tilespmem:$0x1A900] =	vst v63  }
0x14e: {  	s26 =	smov.u32 s24;
	s23 =	smov.u32 s25;
	p0 =	sne.s32 s24, $0x1838  }
.Ltmp8:
0x14f: {  	s24 =	sadd.s32 $0xC8, s24;
	(pc) =	sbr.rel @p0 .LBB2_18-.Ltmp8, $2  }
0x150: {  	_ =	sdelay $0x2  }
0x151: {  	s25 =	sadd.s32 $0x640, s25;
	s26 =	sadd.s32 s26, s13  }
0x152: {  	[hbm4b:s26+s2] =	stream.linear.scatter [tilespmem:s23], [sflag:$0x2], $0x640, $0x38;
	[tilespmem:$0x1A900] =	vst v63  }
0x153: {  	_ =	swait.ge [sflag:s21], $0x640  }
0x154: {  	[sflag:s21] =	ssyncset.done $0x0  }
0x155: {  	[sflag:s21] =	ssyncadd.s32 $0xFFFFF9C0  }
0x156: {  	_ =	swait.ge [sflag:s21], $0x640  }
0x157: {  	[sflag:s21] =	ssyncset.done $0x0  }
0x158: {  	[sflag:s21] =	ssyncadd.s32 $0xFFFFF9C0  }
0x159: {  	_ =	swait.ge [sflag:s21], $0x640  }
0x15a: {  	[sflag:s21] =	ssyncset.done $0x0  }
0x15b: {  	[sflag:s21] =	ssyncadd.s32 $0xFFFFF9C0  }
0x15c: {  	_ =	swait.ge [sflag:s21], $0x640  }
0x15d: {  	[sflag:s21] =	ssyncset.done $0x0  }
0x15e: {  	[sflag:s21] =	ssyncadd.s32 $0xFFFFF9C0  }
0x15f: {  	_ =	swait.ge [sflag:s21], $0x640  }
0x160: {  	[sflag:s21] =	ssyncset.done $0x0  }
0x161: {  	[sflag:s21] =	ssyncadd.s32 $0xFFFFF9C0  }
0x162: {  	_ =	swait.ge [sflag:s21], $0x640  }
0x163: {  	[sflag:s21] =	ssyncset.done $0x0  }
0x164: {  	[sflag:s21] =	ssyncadd.s32 $0xFFFFF9C0  }
0x165: {  	_ =	swait.ge [sflag:s21], $0x640  }
0x166: {  	[sflag:s21] =	ssyncset.done $0x0  }
0x167: {  	[sflag:s21] =	ssyncadd.s32 $0xFFFFF9C0  }
0x168: {  	_ =	swait.ge [sflag:s21], $0x640  }
0x169: {  	[sflag:s21] =	ssyncset.done $0x0  }
0x16a: {  	[sflag:s21] =	ssyncadd.s32 $0xFFFFF9C0  }
0x16b: {  	_ =	swait.ge [sflag:s21], $0x640  }
0x16c: {  	[sflag:s21] =	ssyncset.done $0x0  }
0x16d: {  	[sflag:s21] =	ssyncadd.s32 $0xFFFFF9C0  }
0x16e: {  	_ =	swait.ge [sflag:s21], $0x640  }
0x16f: {  	[sflag:s21] =	ssyncset.done $0x0  }
0x170: {  	[sflag:s21] =	ssyncadd.s32 $0xFFFFF9C0  }
0x171: {  	_ =	swait.ge [sflag:s21], $0x640  }
0x172: {  	[sflag:s21] =	ssyncset.done $0x0  }
0x173: {  	[sflag:s21] =	ssyncadd.s32 $0xFFFFF9C0  }
0x174: {  	_ =	swait.ge [sflag:s21], $0x640  }
0x175: {  	[sflag:s21] =	ssyncset.done $0x0  }
0x176: {  	[sflag:s21] =	ssyncadd.s32 $0xFFFFF9C0  }
0x177: {  	_ =	swait.ge [sflag:s21], $0x640  }
0x178: {  	[sflag:s21] =	ssyncset.done $0x0  }
0x179: {  	[sflag:s21] =	ssyncadd.s32 $0xFFFFF9C0  }
0x17a: {  	_ =	swait.ge [sflag:s21], $0x640  }
0x17b: {  	[sflag:s21] =	ssyncset.done $0x0  }
0x17c: {  	[sflag:s21] =	ssyncadd.s32 $0xFFFFF9C0  }
0x17d: {  	_ =	swait.ge [sflag:s21], $0x640  }
0x17e: {  	[sflag:s21] =	ssyncset.done $0x0  }
0x17f: {  	[sflag:s21] =	ssyncadd.s32 $0xFFFFF9C0  }
0x180: {  	_ =	swait.ge [sflag:s21], $0x640  }
0x181: {  	[sflag:s21] =	ssyncset.done $0x0  }
0x182: {  	[sflag:s21] =	ssyncadd.s32 $0xFFFFF9C0  }
0x183: {  	_ =	swait.ge [sflag:s21], $0x640  }
0x184: {  	[sflag:s21] =	ssyncset.done $0x0  }
0x185: {  	[sflag:s21] =	ssyncadd.s32 $0xFFFFF9C0  }
0x186: {  	_ =	swait.ge [sflag:s21], $0x640  }
0x187: {  	[sflag:s21] =	ssyncset.done $0x0  }
0x188: {  	[sflag:s21] =	ssyncadd.s32 $0xFFFFF9C0  }
0x189: {  	_ =	swait.ge [sflag:s21], $0x640  }
0x18a: {  	[sflag:s21] =	ssyncset.done $0x0  }
0x18b: {  	[sflag:s21] =	ssyncadd.s32 $0xFFFFF9C0  }
0x18c: {  	_ =	swait.ge [sflag:s21], $0x640  }
0x18d: {  	[sflag:s21] =	ssyncset.done $0x0  }
0x18e: {  	[sflag:s21] =	ssyncadd.s32 $0xFFFFF9C0  }
0x18f: {  	_ =	swait.ge [sflag:s21], $0x640  }
0x190: {  	[sflag:s21] =	ssyncset.done $0x0  }
0x191: {  	[sflag:s21] =	ssyncadd.s32 $0xFFFFF9C0  }
0x192: {  	_ =	swait.ge [sflag:s21], $0x640  }
0x193: {  	[sflag:s21] =	ssyncset.done $0x0  }
0x194: {  	[sflag:s21] =	ssyncadd.s32 $0xFFFFF9C0  }
0x195: {  	_ =	swait.ge [sflag:s21], $0x640  }
0x196: {  	[sflag:s21] =	ssyncset.done $0x0  }
0x197: {  	[sflag:s21] =	ssyncadd.s32 $0xFFFFF9C0  }
0x198: {  	_ =	swait.ge [sflag:s21], $0x640  }
0x199: {  	[sflag:s21] =	ssyncset.done $0x0  }
0x19a: {  	[sflag:s21] =	ssyncadd.s32 $0xFFFFF9C0  }
0x19b: {  	_ =	swait.ge [sflag:s21], $0x640  }
0x19c: {  	[sflag:s21] =	ssyncset.done $0x0  }
0x19d: {  	[sflag:s21] =	ssyncadd.s32 $0xFFFFF9C0  }
0x19e: {  	_ =	swait.ge [sflag:s21], $0x640  }
0x19f: {  	[sflag:s21] =	ssyncset.done $0x0  }
0x1a0: {  	[sflag:s21] =	ssyncadd.s32 $0xFFFFF9C0  }
0x1a1: {  	_ =	swait.ge [sflag:s21], $0x640  }
0x1a2: {  	[sflag:s21] =	ssyncset.done $0x0  }
0x1a3: {  	[sflag:s21] =	ssyncadd.s32 $0xFFFFF9C0  }
0x1a4: {  	_ =	swait.ge [sflag:s21], $0x640  }
0x1a5: {  	[sflag:s21] =	ssyncset.done $0x0  }
0x1a6: {  	[sflag:s21] =	ssyncadd.s32 $0xFFFFF9C0  }
0x1a7: {  	_ =	swait.ge [sflag:s21], $0x640  }
0x1a8: {  	[sflag:s21] =	ssyncset.done $0x0  }
0x1a9: {  	[sflag:s21] =	ssyncadd.s32 $0xFFFFF9C0  }
0x1aa: {  	_ =	swait.ge [sflag:s21], $0x640  }
0x1ab: {  	[sflag:s21] =	ssyncset.done $0x0  }
0x1ac: {  	[sflag:s21] =	ssyncadd.s32 $0xFFFFF9C0  }
0x1ad: {  	_ =	swait.ge [sflag:s21], $0x640  }
0x1ae: {  	[sflag:s21] =	ssyncset.done $0x0  }
0x1af: {  	[sflag:s21] =	ssyncadd.s32 $0xFFFFF9C0  }
0x1b0: {  	_ =	swait.ge [sflag:s21], $0x640  }
0x1b1: {  	[sflag:s21] =	ssyncset.done $0x0  }
0x1b2: {  	[sflag:s21] =	ssyncadd.s32 $0xFFFFF9C0  }
0x1b3: {  	_ =	swait.ge [sflag:s21], $0x640  }
0x1b4: {  	[sflag:s21] =	ssyncset.done $0x0  }
0x1b5: {  	[sflag:s21] =	ssyncadd.s32 $0xFFFFF9C0  }
0x1b6: {  	_ =	swait.ge [sflag:s21], $0x640  }
0x1b7: {  	[sflag:s21] =	ssyncset.done $0x0  }
0x1b8: {  	[sflag:s21] =	ssyncadd.s32 $0xFFFFF9C0  }
0x1b9: {  	_ =	swait.ge [sflag:s21], $0x640  }
0x1ba: {  	[sflag:s21] =	ssyncset.done $0x0  }
0x1bb: {  	[sflag:s21] =	ssyncadd.s32 $0xFFFFF9C0  }
0x1bc: {  	_ =	swait.ge [sflag:s21], $0x640  }
0x1bd: {  	[sflag:s21] =	ssyncset.done $0x0  }
0x1be: {  	[sflag:s21] =	ssyncadd.s32 $0xFFFFF9C0  }
0x1bf: {  	_ =	swait.ge [sflag:s21], $0x640  }
0x1c0: {  	[sflag:s21] =	ssyncset.done $0x0  }
0x1c1: {  	[sflag:s21] =	ssyncadd.s32 $0xFFFFF9C0  }
0x1c2: {  	_ =	swait.ge [sflag:s21], $0x640  }
0x1c3: {  	[sflag:s21] =	ssyncset.done $0x0  }
0x1c4: {  	[sflag:s21] =	ssyncadd.s32 $0xFFFFF9C0  }
0x1c5: {  	_ =	swait.ge [sflag:s21], $0x640  }
0x1c6: {  	[sflag:s21] =	ssyncset.done $0x0  }
0x1c7: {  	[sflag:s21] =	ssyncadd.s32 $0xFFFFF9C0  }
0x1c8: {  	_ =	swait.ge [sflag:s21], $0x640  }
0x1c9: {  	[sflag:s21] =	ssyncset.done $0x0  }
0x1ca: {  	[sflag:s21] =	ssyncadd.s32 $0xFFFFF9C0  }
0x1cb: {  	_ =	swait.ge [sflag:s21], $0x640  }
0x1cc: {  	[sflag:s21] =	ssyncset.done $0x0  }
0x1cd: {  	[sflag:s21] =	ssyncadd.s32 $0xFFFFF9C0  }
0x1ce: {  	_ =	swait.ge [sflag:s21], $0x640  }
0x1cf: {  	[sflag:s21] =	ssyncset.done $0x0  }
0x1d0: {  	[sflag:s21] =	ssyncadd.s32 $0xFFFFF9C0  }
0x1d1: {  	_ =	swait.ge [sflag:s21], $0x640  }
0x1d2: {  	[sflag:s21] =	ssyncset.done $0x0  }
0x1d3: {  	[sflag:s21] =	ssyncadd.s32 $0xFFFFF9C0  }
0x1d4: {  	_ =	swait.ge [sflag:s21], $0x640  }
0x1d5: {  	[sflag:s21] =	ssyncset.done $0x0  }
0x1d6: {  	[sflag:s21] =	ssyncadd.s32 $0xFFFFF9C0  }
0x1d7: {  	_ =	swait.ge [sflag:s21], $0x640  }
0x1d8: {  	[sflag:s21] =	ssyncset.done $0x0  }
0x1d9: {  	[sflag:s21] =	ssyncadd.s32 $0xFFFFF9C0  }
0x1da: {  	_ =	swait.ge [sflag:s21], $0x640  }
0x1db: {  	[sflag:s21] =	ssyncset.done $0x0  }
0x1dc: {  	[sflag:s21] =	ssyncadd.s32 $0xFFFFF9C0  }
0x1dd: {  	_ =	swait.ge [sflag:s21], $0x640  }
0x1de: {  	[sflag:s21] =	ssyncset.done $0x0  }
0x1df: {  	[sflag:s21] =	ssyncadd.s32 $0xFFFFF9C0  }
0x1e0: {  	_ =	swait.ge [sflag:s21], $0x640  }
0x1e1: {  	[sflag:s21] =	ssyncset.done $0x0  }
0x1e2: {  	[sflag:s21] =	ssyncadd.s32 $0xFFFFF9C0  }
0x1e3: {  	_ =	swait.ge [sflag:s21], $0x640  }
0x1e4: {  	[sflag:s21] =	ssyncset.done $0x0  }
0x1e5: {  	[sflag:s21] =	ssyncadd.s32 $0xFFFFF9C0  }
0x1e6: {  	_ =	swait.ge [sflag:s21], $0x640  }
0x1e7: {  	[sflag:s21] =	ssyncset.done $0x0  }
0x1e8: {  	[sflag:s21] =	ssyncadd.s32 $0xFFFFF9C0  }
0x1e9: {  	_ =	swait.ge [sflag:s21], $0x640  }
0x1ea: {  	[sflag:s21] =	ssyncset.done $0x0  }
0x1eb: {  	[sflag:s21] =	ssyncadd.s32 $0xFFFFF9C0  }
0x1ec: {  	_ =	swait.ge [sflag:s21], $0x640  }
0x1ed: {  	[sflag:s21] =	ssyncset.done $0x0  }
0x1ee: {  	[sflag:s21] =	ssyncadd.s32 $0xFFFFF9C0  }
0x1ef: {  	_ =	swait.ge [sflag:s21], $0x640  }
0x1f0: {  	[sflag:s21] =	ssyncset.done $0x0  }
0x1f1: {  	[sflag:s21] =	ssyncadd.s32 $0xFFFFF9C0  }
0x1f2: {  	_ =	swait.ge [sflag:s21], $0x640  }
0x1f3: {  	[sflag:s21] =	ssyncset.done $0x0  }
0x1f4: {  	[sflag:s21] =	ssyncadd.s32 $0xFFFFF9C0  }
0x1f5: {  	_ =	swait.ge [sflag:s21], $0x640  }
0x1f6: {  	[sflag:s21] =	ssyncset.done $0x0  }
0x1f7: {  	[sflag:s21] =	ssyncadd.s32 $0xFFFFF9C0  }
0x1f8: {  	_ =	swait.ge [sflag:s21], $0x640  }
0x1f9: {  	[sflag:s21] =	ssyncset.done $0x0  }
0x1fa: {  	[sflag:s21] =	ssyncadd.s32 $0xFFFFF9C0  }
0x1fb: {  	_ =	swait.ge [sflag:s21], $0x640  }
0x1fc: {  	[sflag:s21] =	ssyncset.done $0x0  }
0x1fd: {  	[sflag:s21] =	ssyncadd.s32 $0xFFFFF9C0  }
0x1fe: {  	_ =	swait.ge [sflag:s21], $0x640  }
0x1ff: {  	[sflag:s21] =	ssyncset.done $0x0  }
0x200: {  	[sflag:s21] =	ssyncadd.s32 $0xFFFFF9C0  }
0x201: {  	_ =	swait.ge [sflag:s21], $0x640  }
0x202: {  	[sflag:s21] =	ssyncset.done $0x0  }
0x203: {  	[sflag:s21] =	ssyncadd.s32 $0xFFFFF9C0  }
0x204: {  	_ =	swait.ge [sflag:s21], $0x640  }
0x205: {  	[sflag:s21] =	ssyncset.done $0x0  }
0x206: {  	[sflag:s21] =	ssyncadd.s32 $0xFFFFF9C0  }
0x207: {  	_ =	swait.ge [sflag:s21], $0x640  }
0x208: {  	[sflag:s21] =	ssyncset.done $0x0  }
0x209: {  	[sflag:s21] =	ssyncadd.s32 $0xFFFFF9C0  }
0x20a: {  	_ =	swait.ge [sflag:s21], $0x640  }
0x20b: {  	[sflag:s21] =	ssyncset.done $0x0  }
0x20c: {  	s22 =	sadd.s32 $0x1, s22;
	[sflag:s21] =	ssyncadd.s32 $0xFFFFF9C0  }
0x20d: {  	p0 =	sne.s32 s22, s9;
	_ =	swait.ge [sflag:s21], $0x640  }
.Ltmp9:
0x20e: {  	[sflag:s21] =	ssyncset.done $0x0;
	(pc) =	sbr.rel @p0 .LBB2_1-.Ltmp9, $4  }
0x20f: {  	[sflag:s21] =	ssyncadd.s32 $0xFFFFF9C0  }
0x210: {  	_ =	swait.ge [sflag:s21], $0x640  }
0x211: {  	[sflag:s21] =	ssyncset.done $0x0  }
0x212: {  	[sflag:s21] =	ssyncadd.s32 $0xFFFFF9C0  }
0x213: {  	_ =	sfence.sel $0x180000  }
0x214: {  	[bflag:$0x0] =	sbarrier.arrive $0xFFFF  }
0x215: {  	p0 =	sne.s32 s1, $0x0;
	_ =	strace $0x90000047  }
0x216: {  	s0 =	sadd.s32 @!p0 $0x100000, s0;
	[bflag:$0x2] =	sbarrier.arrive $0xFFFF  }
0x217: {  	[sflag:s0] =	ssyncadd.tile.s32 @!p0 $0x1;
	_ =	shalt  }
.Lfunc_end2:
_tile_overlayer_lowered:
.L_overlay_start_2:
0x218: {  	(tag) =	ssettag $0x2  }
0x219: {  	s0 =	rddreg [dreg:$0x0];
	s2 =	stileid.u32  }
0x21a: {  	s1 =	rddreg [dreg:$0x1];
	p0 =	sne.s32 s2, $0x0  }
0x21b: {  	s3 =	rddreg [dreg:$0x2];
	[bflag:$0x3] =	sbarrier.arrive $0xFFFF;
	s2 =	simm.s32 @!p0 $0x1C03  }
0x21c: {  	[timem:s3], [sflag:s2] =	dma.local @!p0 [hbm:s0], s1  }
0x21d: {  	s0 =	simm.s32 @!p0 $0x3  }
0x21e: {  	_ =	swait.ge @!p0 [sflag:s0], s1  }
0x21f: {  	s1 =	ssub.s32 @!p0 $0x0, s1;
	[sflag:s0] =	ssyncset.done @!p0 $0x0  }
0x220: {  	[sflag:s0] =	ssyncadd.s32 @!p0 s1  }
0x221: {  	[bflag:$0x3] =	sbarrier.arrive $0xFFFF  }
0x222: {  	_ =	shalt  }

// kernel: sparse-core-data-format-call.cloned.1.call-start
scs
called_computation_lowered:
.L_overlay_start_0:
0x0: {  	s2 =	sld [smem:$0x3FD9]  }
0x1: {  	s3 =	sld [smem:$0x3FFE];
	_ =	sdelay $0x1  }
0x2: {  	s1 =	srdreg.scid  }
0x3: {  	s0 =	sand.u32 $0x1, s1  }
0x4: {  	s18 =	sshll.u32 s0, $0xA;
	s2 =	sadd.s32 s3, s2  }
0x5: {  	s2 =	sadd.s32 s2, s18  }
0x6: {  	[smem:$0x3FC6] =	sst s2  }
0x7: {  	_ = 	snop  }
0x8: {  	s2 =	sld [smem:$0x3FD0];
	(tm) =	ssettm $0x1  }
0x9: {  	s19 =	sld [smem:$0x3FFB];
	_ =	sdelay $0x3  }
0xa: {  	_ =	strace s19  }
0xb: {  	s3 =	sld [smem:$0x3FFC];
	_ =	sdelay $0x3  }
0xc: {  	_ =	strace s3  }
0xd: {  	s3 =	sld [smem:$0x3FFD];
	_ =	sdelay $0x3  }
0xe: {  	_ =	strace s3  }
0xf: {  	_ =	strace $0x8FFFFFFF  }
0x10: {  	s20 =	sld [smem:$0x3FDB];
	_ =	sdelay $0x1  }
0x11: {  	s4 =	simm.s32 $_scs_section_size  }
0x12: {  	s5 =	simm.s32 $_size__tile_overlayer_lowered;
	s6 =	simm.s32 $_tile_overlayer_lowered  }
0x13: {  	s23 =	simm.s32 $0x1BFF;
	s22 =	sshll.u32 s6, $0x1;
	s3 =	sadd.s32 s4, s20  }
0x14: {  	s7 =	simm.s32 $0x0;
	s21 =	sshll.u32 s5, $0x1;
	s5 =	sadd.s32 s22, s3  }
0x15: {  	[timem:s7], [sflag:s23] =	dma.local [hbm:s5], s21  }
0x16: {  	_ =	swait.ge [sflag:s23], s21  }
0x17: {  	s4 =	ssub.s32 $0x0, s21;
	[sflag:s23] =	ssyncset.done $0x0  }
0x18: {  	[sflag:s23] =	ssyncadd.s32 s4;
	_ =	sdelay $0x1  }
0x19: {  	s24 =	simm.s32 $0x1B8B  }
0x1a: {  	_ =	swait.ge [sflag:s24], $0x1  }
0x1b: {  	[sflag:s24] =	ssyncset.done $0x0  }
0x1c: {  	s26 =	simm.s32 $0x1B8E;
	s25 =	sld [smem:$0x3FFE];
	[sflag:s24] =	ssyncadd.s32 $0xFFFFFFFF  }
0x1d: {  	s27 =	simm.s32 $execute0_lowered;
	[smem:$0x3FD2] =	sst s26  }
0x1e: {  	s5 =	sshll.u32 s27, $0x1;
	_ =	strace $0x80000049;
	[dreg:$0x1] =	wrdreg $0xFFFFFFFF  }
0x1f: {  	s28 =	simm.s32 $_size_execute0_lowered;
	s3 =	sadd.s32 s3, s5;
	[dreg:$0x0] =	wrdreg $0x0  }
0x20: {  	s5 =	sshll.u32 s28, $0x1;
	[dreg:$0x2] =	wrdreg s3  }
0x21: {  	[dreg:$0x3] =	wrdreg s5  }
0x22: {  	[dreg:$0x4] =	wrdreg $0xC0  }
0x23: {  	_ =	task [dreg:s7], $0x5FFFF  }
0x24: {  	[dreg:$0x1] =	wrdreg $0xFFFFFFFF  }
0x25: {  	[dreg:$0x0] =	wrdreg $0x60  }
0x26: {  	[dreg:$0x2] =	wrdreg s25  }
0x27: {  	[dreg:$0x3] =	wrdreg s2  }
0x28: {  	[dreg:$0x4] =	wrdreg $0x9  }
0x29: {  	_ =	task.clear_ibuf [dreg:s7], $0x5FFFF;
	_ =	strace $0x90000049  }
0x2a: {  	s29 =	simm.s32 $0x9;
	_ =	strace $0x8000004B  }
0x2b: {  	_ =	swait.ge [sflag:s29], $0x1  }
0x2c: {  	[sflag:s29] =	ssyncadd.s32 $0xFFFFFFFF  }
0x2d: {  	_ =	strace $0x9000004B  }
0x2e: {  	_ =	sfence  }
0x2f: {  	s30 =	sld [smem:$0x0];
	_ =	sdelay $0x2  }
0x30: {  	s31 =	sshll.u32 s1, $0xD;
	s1 =	sshrl.u32 s1, $0x2  }
0x31: {  	s3 =	sand.u32 $0x4000, s31;
	s1 =	sadd.s32 s1, s30  }
0x32: {  	s0 =	sor.u32 s3, s0;
	s1 =	sshll.u32 s1, $0x11  }
0x33: {  	s0 =	sor.u32 s1, s0  }
0x34: {  	s0 =	sadd.s32 $0x8F2B, s0  }
0x35: {  	[sflag:s0] =	ssyncadd.remote.s32 $0x1  }
0x36: {  	_ =	sfence.sel $0xFFFF  }
0x37: {  	[dreg:$0x0] =	wrdreg $0xFFFFFFFF;
	(pc) =	sbr.abs _section_cstart, $3  }
0x38: {  	[dreg:$0x1] =	wrdreg $0xFFFFFFFF  }
0x39: {  	_ =	task.clear_ibuf [dreg:s7], $0x2FFFF;
	_ =	strace $0x9FFFFFFF  }
0x3a: {  	(tm) =	ssettm $0x7FFFFFFF  }
0x3b: {  	_ =	shalt  }
tec
execute0_lowered:
.L_overlay_start_1:
0x0: {  	(tag) =	ssettag $0x1  }
0x1: {  	s0 =	srdreg.scid  }
0x2: {  	s1 =	sshll.u32 s0, $0x4  }
0x3: {  	s0 =	stileid.u32;
	s1 =	sand.u32 $0x10, s1  }
0x4: {  	s1 =	sor.u32 s0, s1  }
0x5: {  	s6 =	rddreg [dreg:$0x0];
	s4 =	simm.s32 $0x1;
	s2 =	sshll.u32 s1, $0x7  }
0x6: {  	s7 =	simm.s32 $0x2;
	s12 =	simm.s32 $0x0;
	s1 =	ssub.s32 $0x4000, s2  }
0x7: {  	s8 =	simm.s32 $0x20000;
	s13 =	simm.s32 $0x0;
	s3 =	sand.u32 $0xF80, s1  }
0x8: {  	s9 =	simm.s32 $0x0;
	s5 =	sshrl.u32 s1, $0xC;
	p0 =	sne.s32 s3, $0x0  }
.Ltmp0:
0x9: {  	s1 =	rddreg [dreg:$0x2];
	s4 =	simm.s32 @!p0 $0x0;
	(pc) =	sbr.rel .LBB1_1-.Ltmp0, $4  }
0xa: {  	s11 =	simm.s32 $0x0;
	s3 =	rddreg [dreg:$0x1];
	s5 =	sadd.s32 s4, s5  }
0xb: {  	_ =	strace $0x8000004A;
	s4 =	simm.s32 $0x1;
	s5 =	smul.u32 $0x32, s5  }
0xc: {  	s6 =	sadd.s32 $0xA00, s6;
	s10 =	smov.u32 s2;
	[sflag:s4] =	ssyncpa.u1 $0x0  }
0xd: {  	p0 =	por $0x0, $0x0;
	[sflag:s7] =	ssyncpa.u1 $0x0;
	s7 =	sor.u32 $0x1, s5  }
.LBB1_4:
0xe: {  	s16 =	sshll.u32 s13, $0x3;
	s17 =	sand.u32 $0x78, s13  }
0xf: {  	s30 =	sand.u32 $0xF800, s13;
	s12 =	sshll.u32 s12, $0x10;
	s16 =	sand.u32 $0x3C00, s16  }
0x10: {  	s31 =	sand.u32 $0x7, s13;
	s16 =	sor.u32 s17, s16;
	s17 =	sadd.s32 s3, s30  }
0x11: {  	s13 =	sshll.u32 s31, $0x12;
	s16 =	sshrl.u32 s16, $0x3;
	s12 =	sadd.s32 s12, s17  }
0x12: {  	[tilespmem:s15+$0x0 ss:$0x81] =	vst.msk $0xffff, v0;
	s13 =	sor.u32 $0x400, s13;
	s12 =	sadd.s32 s16, s12  }
0x13: {  	[hbm4b:s12+s13] =	stream.strided.scatter [tilespmem:s14], [sflag:$0x2], $0x1000, s8, s13, $0x20;
	[tilespmem:$0x4040] =	vst v63  }
.LBB1_5:
0x14: {  	s14 =	sadd.s32 $0x1, s9  }
0x15: {  	s12 =	sadd.s32 $0x1000, s10;
	s16 =	smov.u32 s10;
	p2 =	sgt.s32 s14, $0x31  }
0x16: {  	s16 =	smov.u32 @p2 s12  }
0x17: {  	s14 =	simm.s32 @p2 $0x0;
	p2 =	sgt.s32 s16, $0x3FFF  }
0x18: {  	s16 =	smov.u32 @p2 s2;
	p2 =	sne.s32 s11, s7  }
.Ltmp1:
0x19: {  	p1 =	slt.u32 s11, $0x2;
	(pc) =	sbr.rel @!p2 .LBB1_6-.Ltmp1, $4  }
0x1a: {  	s15 =	simm.s32 @!p1 $0x2  }
0x1b: {  	s13 =	smov.u32 s10;
	p0 =	por !p0, !p0;
	_ =	swait.ge @!p1 [sflag:s15], $0x1000  }
0x1c: {  	s12 =	smov.u32 s9;
	[sflag:s15] =	ssyncset.done @!p1 $0x0;
	s9 =	smov.u32 s14  }
0x1d: {  	s11 =	sadd.s32 $0x1, s11;
	[sflag:s15] =	ssyncadd.s32 @!p1 $0xFFFFF000;
	s10 =	smov.u32 s16  }
.LBB1_1:
0x1e: {  	p1 =	sge.u32 s11, s5  }
0x1f: {  	s14 =	sand.u32 @!p1 $0x1FFFFFF, s9  }
0x20: {  	s15 =	smulhi.u32 @!p1 $0x4924925, s14;
	_ =	sdelay $0x1  }
0x21: {  	s15 =	smul.u32 @!p1 $0x38, s15  }
0x22: {  	s16 =	sxor.u32 @!p1 $0xFFFFFFFF, s11;
	s17 =	smul.u32 @!p1 $0x380, s10  }
0x23: {  	s31 =	sadd.s32 $0xFFFFFFFF, s11;
	s16 =	sshll.u32 @!p1 s16, $0xC;
	s14 =	ssub.s32 @!p1 s14, s15  }
0x24: {  	s15 =	sand.u32 @!p1 $0x1000, s16;
	s16 =	sadd.s32 @!p1 s6, s17;
	s14 =	sshll.u32 @!p1 s14, $0x4  }
0x25: {  	s17 =	simm.s32 @!p1 $0x1C00;
	s14 =	sadd.s32 @!p1 s14, s16;
	s16 =	simm.s32 @!p1 $0x20  }
0x26: {  	[tilespmem:s15], [sflag:$0x1] =	stream.strided.gather @!p1 [hbm4b:s14+s16], $0x1000, s17, s16, $0x38;
	[tilespmem:$0x4040] =	vst v63  }
0x27: {  	p1 =	sge.u32 s31, s5  }
.Ltmp2:
0x28: {  	_ = 	snop;
	(pc) =	sbr.rel @p1 .LBB1_5-.Ltmp2, $1  }
0x29: {  	_ =	sdelay $0x3  }
0x2a: {  	s14 =	simm.s32 $0x1  }
0x2b: {  	_ =	swait.ge [sflag:s4], $0x1000;
	s14 =	simm.s32 @!p0 $0x0  }
0x2c: {  	[sflag:s4] =	ssyncset.done $0x0;
	s15 =	sshll.u32 s14, $0xC  }
0x2d: {  	[sflag:s4] =	ssyncadd.s32 $0xFFFFF000;
	s18 =	sor.u32 $0x10, s15  }
0x2e: {  	s14 =	smul.u32 $0x4080, s14;
	v1 =	vld [tilespmem:s18+$0x0]  }
0x2f: {  	s30 =	sand.u32 $0x1, s11;
	v0 =	vld [tilespmem:s18+$0xFFFFFFF0]  }
0x30: {  	s15 =	smul.u32 $0x4080, s30;
	s14 =	sshrl.u32 s14, $0x2  }
0x31: {  	s16 =	sor.u32 $0x2000, s14  }
0x32: {  	s31 =	sshrl.u32 s15, $0x2;
	s15 =	sadd.s32 $0x0, s16  }
0x33: {  	s17 =	simm.s32 $0x4;
	s18 =	sadd.s32 $0x20, s18;
	s14 =	sor.u32 $0x2000, s31;
	[tilespmem:s15+$0x810 ss:$0x81] =	vst.msk $0xffff, v1  }
.LBB1_3:
0x34: {  	v1 =	vld [tilespmem:s18+$0x0];
	p1 =	sne.s32 s17, $0x1FC;
	[tilespmem:s15+$0x0 ss:$0x81] =	vst.msk $0xffff, v0;
	s15 =	smov.u32 s17;
	s17 =	sadd.s32 $0x4, s17  }
.Ltmp3:
0x35: {  	v0 =	vld [tilespmem:s18+$0xFFFFFFF0];
	(pc) =	sbr.rel @p1 .LBB1_3-.Ltmp3, $4  }
0x36: {  	_ = 	snop  }
0x37: {  	s15 =	sshra.s32 s15, $0x2  }
0x38: {  	s15 =	sadd.s32 s15, s16  }
0x39: {  	s18 =	sadd.s32 $0x20, s18;
	[tilespmem:s15+$0x810 ss:$0x81] =	vst.msk $0xffff, v1  }
.Ltmp4:
0x3a: {  	_ = 	snop;
	(pc) =	sbr.rel .LBB1_4-.Ltmp4, $1  }
0x3b: {  	_ =	sdelay $0x3  }
.LBB1_6:
0x3c: {  	_ =	sfence.sel $0x180000  }
0x3d: {  	s2 =	simm.s32 $0x1;
	[bflag:$0x0] =	sbarrier.arrive $0xFFFF  }
0x3e: {  	s31 =	simm.s32 $0x2;
	[sflag:s2] =	ssyncpa.u1 $0x1  }
0x3f: {  	[sflag:s31] =	ssyncpa.u1 $0x1  }
0x40: {  	p0 =	sne.s32 s0, $0x0;
	_ =	strace $0x9000004A  }
0x41: {  	s0 =	sadd.s32 @!p0 $0x100000, s1;
	[bflag:$0x2] =	sbarrier.arrive $0xFFFF  }
0x42: {  	[sflag:s0] =	ssyncadd.tile.s32 @!p0 $0x1;
	_ =	shalt  }
.Lfunc_end1:
_tile_overlayer_lowered:
.L_overlay_start_2:
0x43: {  	(tag) =	ssettag $0x2  }
0x44: {  	s0 =	rddreg [dreg:$0x0];
	s2 =	stileid.u32  }
0x45: {  	s1 =	rddreg [dreg:$0x1];
	p0 =	sne.s32 s2, $0x0  }
0x46: {  	s3 =	rddreg [dreg:$0x2];
	[bflag:$0x3] =	sbarrier.arrive $0xFFFF;
	s2 =	simm.s32 @!p0 $0x1C01  }
0x47: {  	[timem:s3], [sflag:s2] =	dma.local @!p0 [hbm:s0], s1  }
0x48: {  	s0 =	simm.s32 @!p0 $0x1  }
0x49: {  	_ =	swait.ge @!p0 [sflag:s0], s1  }
0x4a: {  	s1 =	ssub.s32 @!p0 $0x0, s1;
	[sflag:s0] =	ssyncset.done @!p0 $0x0  }
0x4b: {  	[sflag:s0] =	ssyncadd.s32 @!p0 s1  }
0x4c: {  	[bflag:$0x3] =	sbarrier.arrive $0xFFFF  }
0x4d: {  	_ =	shalt  }

</sc_bundles>
